<compile_context>
chip_gen: v7x
topology: tpu7x:2x2x1
jax: 0.10.2.dev20260603
libtpu: 0.0.44.dev20260713+nightly
codegen_flags: <defaults>
</compile_context>

<pallas_src>
import functools

import jax
import jax.numpy as jnp
from jax import lax
from jax.experimental import pallas as pl
from jax.experimental.pallas import tpu as pltpu
from jax.experimental.pallas import tpu_sc as plsc

SEQ = 8192
DIM = 2048
TOT = 4 * 8192
NC, NS = 2, 16
GW = 128
NGRP = DIM // GW // NC
POS_W = TOT // NS
CPOS = 64
NCH = POS_W // CPOS
HALF = SEQ // 2
SPC = HALF // NS

_mesh = plsc.VectorSubcoreMesh(core_axis_name="c", subcore_axis_name="s")


@functools.partial(
    pl.kernel,
    out_type=jax.ShapeDtypeStruct((TOT, DIM), jnp.float32),
    mesh=_mesh,
    scratch_types=[
        pltpu.VMEM((POS_W,), jnp.int32),
        pltpu.VMEM_SHARED((SEQ, GW), jnp.float32),
        pltpu.VMEM_SHARED((HALF, GW), jnp.float32),
        [pltpu.VMEM((CPOS, GW), jnp.float32)] * 3,
        pltpu.SemaphoreType.DMA,
        pltpu.SemaphoreType.DMA,
        [pltpu.SemaphoreType.DMA] * 3,
        [pltpu.SemaphoreType.DMA] * 3,
    ],
)
def _gather_sc(ids_hbm, table_hbm, out_hbm, idx_v, slab, half, tbufs,
               ssem, hsem, gsems, psems):
    cid = lax.axis_index("c")
    sid = lax.axis_index("s")
    pos0 = sid * POS_W

    pltpu.sync_copy(ids_hbm.at[sid], idx_v)

    def col0(g):
        return (cid * NGRP + g) * GW

    def stage_lower(g):
        r0 = sid * SPC
        src = table_hbm.at[pl.ds(r0, SPC), pl.ds(col0(g), GW)]
        pltpu.async_copy(src, slab.at[pl.ds(r0, SPC)], ssem)

    def swait():
        src = table_hbm.at[pl.ds(0, SPC), pl.ds(0, GW)]
        pltpu.make_async_copy(src, slab.at[pl.ds(0, SPC)], ssem).wait()

    def prefetch(g):
        r0 = sid * SPC
        src = table_hbm.at[pl.ds(HALF + r0, SPC), pl.ds(col0(g), GW)]
        pltpu.async_copy(src, half.at[pl.ds(r0, SPC)], hsem)

    def hwait():
        src = table_hbm.at[pl.ds(0, SPC), pl.ds(0, GW)]
        pltpu.make_async_copy(src, half.at[pl.ds(0, SPC)], hsem).wait()

    def relay():
        ntrip = SPC // CPOS
        for r in range(ntrip):
            tb = r % 3
            r0 = sid * SPC + r * CPOS
            if r >= 3:
                pltpu.make_async_copy(
                    tbufs[tb], slab.at[pl.ds(HALF, CPOS)], psems[tb]
                ).wait()
            pltpu.async_copy(half.at[pl.ds(r0, CPOS)], tbufs[tb], gsems[tb])
            pltpu.make_async_copy(
                half.at[pl.ds(r0, CPOS)], tbufs[tb], gsems[tb]
            ).wait()
            pltpu.async_copy(
                tbufs[tb], slab.at[pl.ds(HALF + r0, CPOS)], psems[tb]
            )
        for r in range(ntrip - 3, ntrip):
            tb = r % 3
            pltpu.make_async_copy(
                tbufs[tb], slab.at[pl.ds(HALF, CPOS)], psems[tb]
            ).wait()

    def gather(ch, tb):
        idx = idx_v.at[pl.ds(ch * CPOS, CPOS)]
        pltpu.async_copy(slab.at[idx], tbufs[tb], gsems[tb])

    def gwait(tb):
        idx = idx_v.at[pl.ds(0, CPOS)]
        pltpu.make_async_copy(slab.at[idx], tbufs[tb], gsems[tb]).wait()

    def put(g, ch, tb):
        dst = out_hbm.at[pl.ds(pos0 + ch * CPOS, CPOS), pl.ds(col0(g), GW)]
        pltpu.async_copy(tbufs[tb], dst, psems[tb])

    def pwait(tb):
        dst = out_hbm.at[pl.ds(0, CPOS), pl.ds(0, GW)]
        pltpu.make_async_copy(tbufs[tb], dst, psems[tb]).wait()

    def process(g):
        gather(0, 0)
        gather(1, 1)
        gather(2, 2)
        for ch in range(NCH):
            tb = ch % 3
            gwait(tb)
            put(g, ch, tb)
            if ch == 2:
                @pl.when(g < NGRP - 1)
                def _():
                    prefetch(g + 1)
            if ch + 3 < NCH:
                pwait(tb)
                gather(ch + 3, tb)

    stage_lower(0)
    prefetch(0)
    hwait()
    relay()

    def body(g, carry):
        swait()
        plsc.subcore_barrier()
        process(g)
        plsc.subcore_barrier()

        @pl.when(g < NGRP - 1)
        def _():
            stage_lower(g + 1)

        pwait(0)
        pwait(1)
        pwait(2)

        @pl.when(g < NGRP - 1)
        def _():
            hwait()
            relay()
        return carry

    lax.fori_loop(0, NGRP, body, 0)


def kernel(position_ids, table):
    ids = position_ids.reshape(NS, POS_W).astype(jnp.int32)
    out = _gather_sc(ids, table)
    return out.reshape(position_ids.shape[0], position_ids.shape[1], DIM)

# --- scband reference (transcript-rebuilt; emitter-appended) ---
"""Pipeline reference for scband-sequence-parallel-position-embedding-2035814498474 (READ-ONLY COPY).

The authoritative reference and input builder live on the scoring server;
editing this copy changes nothing except your own understanding.
"""

import jax, jax.numpy as jnp
import numpy as np

SEQUENCE_LENGTH = 8192
EMBEDDING_DIM = 2048
# single-device reference: world_size=1, rank=0 -> offset=0, local table == full table
OFFSET = 0


def setup_inputs(seed: int = 0) -> dict:
    key = jax.random.key(seed)
    k1, k2 = jax.random.split(key)
    position_ids = jax.random.randint(k1, (4, 8192), 0, SEQUENCE_LENGTH, dtype=jnp.int64 if jax.config.jax_enable_x64 else jnp.int32)
    # learned embedding table, matching torch.nn.Embedding default init N(0,1)
    table = jax.random.normal(k2, (SEQUENCE_LENGTH, EMBEDDING_DIM), dtype=jnp.float32)
    return {"position_ids": position_ids, "table": table}


def reference(position_ids, table):
    # forward: self.local_embeddings(position_ids - self.offset)
    shifted = position_ids - OFFSET
    out = jnp.take(table, shifted, axis=0)
    return out

if __name__ == "__main__":
    import jax
    _d = setup_inputs()
    print(jax.jit(kernel)(*tuple(_d.values())))

</pallas_src>

<mosaic_0001>
#map = affine_map<(d0, d1) -> (0, 0)>
module attributes {stable_mosaic.version = 14 : i64} {
  func.func @_gather_sc(%arg0: i32, %arg1: i32, %arg2: memref<16x2048xi32, #tpu.memory_space<hbm>>, %arg3: memref<8192x2048xf32, #tpu.memory_space<hbm>>, %arg4: memref<32768x2048xf32, #tpu.memory_space<hbm>>, %arg5: memref<2048xi32, #tpu.memory_space<vmem>>, %arg6: memref<8192x128xf32, #tpu.memory_space<vmem_shared>>, %arg7: memref<4096x128xf32, #tpu.memory_space<vmem_shared>>, %arg8: memref<64x128xf32, #tpu.memory_space<vmem>>, %arg9: memref<64x128xf32, #tpu.memory_space<vmem>>, %arg10: memref<64x128xf32, #tpu.memory_space<vmem>>, %arg11: memref<!tpu.dma_semaphore, #tpu.memory_space<semaphore_mem>>, %arg12: memref<!tpu.dma_semaphore, #tpu.memory_space<semaphore_mem>>, %arg13: memref<!tpu.dma_semaphore, #tpu.memory_space<semaphore_mem>>, %arg14: memref<!tpu.dma_semaphore, #tpu.memory_space<semaphore_mem>>, %arg15: memref<!tpu.dma_semaphore, #tpu.memory_space<semaphore_mem>>, %arg16: memref<!tpu.dma_semaphore, #tpu.memory_space<semaphore_mem>>, %arg17: memref<!tpu.dma_semaphore, #tpu.memory_space<semaphore_mem>>, %arg18: memref<!tpu.dma_semaphore, #tpu.memory_space<semaphore_mem>>) attributes {dimension_semantics = [#tpu.dimension_semantics<core_parallel>, #tpu.dimension_semantics<subcore_parallel>], iteration_bounds = array<i64: 2, 16>, scalar_prefetch = 0 : i64, scratch_operands = 14 : i64, tpu.core_type = #tpu.core_type<sc_vector_subcore>, window_params = [{transform_indices = #map}, {transform_indices = #map}, {transform_indices = #map}]} {
    %mul3A = arith.constant 2048 : i32
    %mul3A_0 = arith.muli %arg1, %mul3A : i32
    "tpu.region"() ({
      %run_scoped3A = tpu.sem_alloc : memref<!tpu.dma_semaphore, #tpu.memory_space<semaphore_mem>>
      %dma_start3A_129 = arith.constant 0 : i32
      %dma_start3A_130 = tpu.memref_slice %arg2[%arg1, %dma_start3A_129] : memref<16x2048xi32, #tpu.memory_space<hbm>> -> memref<1x2048xi32, #tpu.memory_space<hbm>>
      %dma_start3A_131 = tpu.memref_squeeze %dma_start3A_130 : memref<1x2048xi32, #tpu.memory_space<hbm>> -> memref<2048xi32, #tpu.memory_space<hbm>>
      %dma_start3A_132 = arith.constant 0 : i32
      %dma_start3A_133 = tpu.memref_slice %arg2[%arg1, %dma_start3A_132] : memref<16x2048xi32, #tpu.memory_space<hbm>> -> memref<1x2048xi32, #tpu.memory_space<hbm>>
      %dma_start3A_134 = tpu.memref_squeeze %dma_start3A_133 : memref<1x2048xi32, #tpu.memory_space<hbm>> -> memref<2048xi32, #tpu.memory_space<hbm>>
      tpu.enqueue_dma source(%dma_start3A_134 : memref<2048xi32, #tpu.memory_space<hbm>>) target(%arg5 : memref<2048xi32, #tpu.memory_space<vmem>>) target_semaphore(%run_scoped3A : memref<!tpu.dma_semaphore, #tpu.memory_space<semaphore_mem>>)
      %dma_wait3A_135 = arith.constant 0 : i32
      %dma_wait3A_136 = tpu.memref_slice %arg2[%arg1, %dma_wait3A_135] : memref<16x2048xi32, #tpu.memory_space<hbm>> -> memref<1x2048xi32, #tpu.memory_space<hbm>>
      %dma_wait3A_137 = tpu.memref_squeeze %dma_wait3A_136 : memref<1x2048xi32, #tpu.memory_space<hbm>> -> memref<2048xi32, #tpu.memory_space<hbm>>
      %dma_wait3A_138 = arith.constant 0 : i32
      %dma_wait3A_139 = tpu.memref_slice %arg2[%arg1, %dma_wait3A_138] : memref<16x2048xi32, #tpu.memory_space<hbm>> -> memref<1x2048xi32, #tpu.memory_space<hbm>>
      %dma_wait3A_140 = tpu.memref_squeeze %dma_wait3A_139 : memref<1x2048xi32, #tpu.memory_space<hbm>> -> memref<2048xi32, #tpu.memory_space<hbm>>
      tpu.wait_dma2 semaphore(%run_scoped3A : memref<!tpu.dma_semaphore, #tpu.memory_space<semaphore_mem>>) src(%dma_wait3A_140 : memref<2048xi32, #tpu.memory_space<hbm>>) dst(%arg5 : memref<2048xi32, #tpu.memory_space<vmem>>)
      tpu.yield
    }) : () -> ()
    %mul3A_1 = arith.constant 256 : i32
    %mul3A_2 = arith.muli %arg1, %mul3A_1 : i32
    %mul3A_3 = arith.constant 8 : i32
    %mul3A_4 = arith.muli %arg0, %mul3A_3 : i32
    %add3A = arith.constant 0 : i32
    %add3A_5 = arith.addi %mul3A_4, %add3A : i32
    %mul3A_6 = arith.constant 128 : i32
    %mul3A_7 = arith.muli %add3A_5, %mul3A_6 : i32
    %dma_start3A = arith.constant 0 : i32
    %dma_start3A_8 = tpu.memref_slice %arg6[%mul3A_2, %dma_start3A] : memref<8192x128xf32, #tpu.memory_space<vmem_shared>> -> memref<256x128xf32, #tpu.memory_space<vmem_shared>>
    %dma_start3A_9 = tpu.memref_slice %arg3[%mul3A_2, %mul3A_7] : memref<8192x2048xf32, #tpu.memory_space<hbm>> -> memref<256x128xf32, #tpu.memory_space<hbm>>
    tpu.enqueue_dma source(%dma_start3A_9 : memref<256x128xf32, #tpu.memory_space<hbm>>) target(%dma_start3A_8 : memref<256x128xf32, #tpu.memory_space<vmem_shared>>) target_semaphore(%arg11 : memref<!tpu.dma_semaphore, #tpu.memory_space<semaphore_mem>>)
    %mul3A_10 = arith.constant 256 : i32
    %mul3A_11 = arith.muli %arg1, %mul3A_10 : i32
    %add3A_12 = arith.constant 4096 : i32
    %add3A_13 = arith.addi %add3A_12, %mul3A_11 : i32
    %mul3A_14 = arith.constant 8 : i32
    %mul3A_15 = arith.muli %arg0, %mul3A_14 : i32
    %add3A_16 = arith.constant 0 : i32
    %add3A_17 = arith.addi %mul3A_15, %add3A_16 : i32
    %mul3A_18 = arith.constant 128 : i32
    %mul3A_19 = arith.muli %add3A_17, %mul3A_18 : i32
    %dma_start3A_20 = arith.constant 0 : i32
    %dma_start3A_21 = tpu.memref_slice %arg7[%mul3A_11, %dma_start3A_20] : memref<4096x128xf32, #tpu.memory_space<vmem_shared>> -> memref<256x128xf32, #tpu.memory_space<vmem_shared>>
    %dma_start3A_22 = tpu.memref_slice %arg3[%add3A_13, %mul3A_19] : memref<8192x2048xf32, #tpu.memory_space<hbm>> -> memref<256x128xf32, #tpu.memory_space<hbm>>
    tpu.enqueue_dma source(%dma_start3A_22 : memref<256x128xf32, #tpu.memory_space<hbm>>) target(%dma_start3A_21 : memref<256x128xf32, #tpu.memory_space<vmem_shared>>) target_semaphore(%arg12 : memref<!tpu.dma_semaphore, #tpu.memory_space<semaphore_mem>>)
    %dma_wait3A = arith.constant 0 : i32
    %dma_wait3A_23 = arith.constant 0 : i32
    %dma_wait3A_24 = tpu.memref_slice %arg7[%dma_wait3A, %dma_wait3A_23] : memref<4096x128xf32, #tpu.memory_space<vmem_shared>> -> memref<256x128xf32, #tpu.memory_space<vmem_shared>>
    %dma_wait3A_25 = arith.constant 0 : i32
    %dma_wait3A_26 = arith.constant 0 : i32
    %dma_wait3A_27 = tpu.memref_slice %arg3[%dma_wait3A_25, %dma_wait3A_26] : memref<8192x2048xf32, #tpu.memory_space<hbm>> -> memref<256x128xf32, #tpu.memory_space<hbm>>
    tpu.wait_dma2 semaphore(%arg12 : memref<!tpu.dma_semaphore, #tpu.memory_space<semaphore_mem>>) src(%dma_wait3A_27 : memref<256x128xf32, #tpu.memory_space<hbm>>) dst(%dma_wait3A_24 : memref<256x128xf32, #tpu.memory_space<vmem_shared>>)
    %mul3A_28 = arith.constant 256 : i32
    %mul3A_29 = arith.muli %arg1, %mul3A_28 : i32
    %add3A_30 = arith.constant 0 : i32
    %add3A_31 = arith.addi %mul3A_29, %add3A_30 : i32
    %dma_start3A_32 = arith.constant 0 : i32
    %dma_start3A_33 = tpu.memref_slice %arg7[%add3A_31, %dma_start3A_32] : memref<4096x128xf32, #tpu.memory_space<vmem_shared>> -> memref<64x128xf32, #tpu.memory_space<vmem_shared>>
    %dma_start3A_34 = arith.constant 0 : i32
    %dma_start3A_35 = tpu.memref_slice %arg7[%add3A_31, %dma_start3A_34] : memref<4096x128xf32, #tpu.memory_space<vmem_shared>> -> memref<64x128xf32, #tpu.memory_space<vmem_shared>>
    tpu.enqueue_dma source(%dma_start3A_35 : memref<64x128xf32, #tpu.memory_space<vmem_shared>>) target(%arg8 : memref<64x128xf32, #tpu.memory_space<vmem>>) target_semaphore(%arg13 : memref<!tpu.dma_semaphore, #tpu.memory_space<semaphore_mem>>)
    %dma_wait3A_36 = arith.constant 0 : i32
    %dma_wait3A_37 = tpu.memref_slice %arg7[%add3A_31, %dma_wait3A_36] : memref<4096x128xf32, #tpu.memory_space<vmem_shared>> -> memref<64x128xf32, #tpu.memory_space<vmem_shared>>
    %dma_wait3A_38 = arith.constant 0 : i32
    %dma_wait3A_39 = tpu.memref_slice %arg7[%add3A_31, %dma_wait3A_38] : memref<4096x128xf32, #tpu.memory_space<vmem_shared>> -> memref<64x128xf32, #tpu.memory_space<vmem_shared>>
    tpu.wait_dma2 semaphore(%arg13 : memref<!tpu.dma_semaphore, #tpu.memory_space<semaphore_mem>>) src(%dma_wait3A_39 : memref<64x128xf32, #tpu.memory_space<vmem_shared>>) dst(%arg8 : memref<64x128xf32, #tpu.memory_space<vmem>>)
    %add3A_40 = arith.constant 4096 : i32
    %add3A_41 = arith.addi %add3A_40, %add3A_31 : i32
    %dma_start3A_42 = arith.constant 0 : i32
    %dma_start3A_43 = tpu.memref_slice %arg6[%add3A_41, %dma_start3A_42] : memref<8192x128xf32, #tpu.memory_space<vmem_shared>> -> memref<64x128xf32, #tpu.memory_space<vmem_shared>>
    %dma_start3A_44 = arith.constant 0 : i32
    %dma_start3A_45 = tpu.memref_slice %arg6[%add3A_41, %dma_start3A_44] : memref<8192x128xf32, #tpu.memory_space<vmem_shared>> -> memref<64x128xf32, #tpu.memory_space<vmem_shared>>
    tpu.enqueue_dma source(%arg8 : memref<64x128xf32, #tpu.memory_space<vmem>>) target(%dma_start3A_45 : memref<64x128xf32, #tpu.memory_space<vmem_shared>>) target_semaphore(%arg16 : memref<!tpu.dma_semaphore, #tpu.memory_space<semaphore_mem>>)
    %mul3A_46 = arith.constant 256 : i32
    %mul3A_47 = arith.muli %arg1, %mul3A_46 : i32
    %add3A_48 = arith.constant 64 : i32
    %add3A_49 = arith.addi %mul3A_47, %add3A_48 : i32
    %dma_start3A_50 = arith.constant 0 : i32
    %dma_start3A_51 = tpu.memref_slice %arg7[%add3A_49, %dma_start3A_50] : memref<4096x128xf32, #tpu.memory_space<vmem_shared>> -> memref<64x128xf32, #tpu.memory_space<vmem_shared>>
    %dma_start3A_52 = arith.constant 0 : i32
    %dma_start3A_53 = tpu.memref_slice %arg7[%add3A_49, %dma_start3A_52] : memref<4096x128xf32, #tpu.memory_space<vmem_shared>> -> memref<64x128xf32, #tpu.memory_space<vmem_shared>>
    tpu.enqueue_dma source(%dma_start3A_53 : memref<64x128xf32, #tpu.memory_space<vmem_shared>>) target(%arg9 : memref<64x128xf32, #tpu.memory_space<vmem>>) target_semaphore(%arg14 : memref<!tpu.dma_semaphore, #tpu.memory_space<semaphore_mem>>)
    %dma_wait3A_54 = arith.constant 0 : i32
    %dma_wait3A_55 = tpu.memref_slice %arg7[%add3A_49, %dma_wait3A_54] : memref<4096x128xf32, #tpu.memory_space<vmem_shared>> -> memref<64x128xf32, #tpu.memory_space<vmem_shared>>
    %dma_wait3A_56 = arith.constant 0 : i32
    %dma_wait3A_57 = tpu.memref_slice %arg7[%add3A_49, %dma_wait3A_56] : memref<4096x128xf32, #tpu.memory_space<vmem_shared>> -> memref<64x128xf32, #tpu.memory_space<vmem_shared>>
    tpu.wait_dma2 semaphore(%arg14 : memref<!tpu.dma_semaphore, #tpu.memory_space<semaphore_mem>>) src(%dma_wait3A_57 : memref<64x128xf32, #tpu.memory_space<vmem_shared>>) dst(%arg9 : memref<64x128xf32, #tpu.memory_space<vmem>>)
    %add3A_58 = arith.constant 4096 : i32
    %add3A_59 = arith.addi %add3A_58, %add3A_49 : i32
    %dma_start3A_60 = arith.constant 0 : i32
    %dma_start3A_61 = tpu.memref_slice %arg6[%add3A_59, %dma_start3A_60] : memref<8192x128xf32, #tpu.memory_space<vmem_shared>> -> memref<64x128xf32, #tpu.memory_space<vmem_shared>>
    %dma_start3A_62 = arith.constant 0 : i32
    %dma_start3A_63 = tpu.memref_slice %arg6[%add3A_59, %dma_start3A_62] : memref<8192x128xf32, #tpu.memory_space<vmem_shared>> -> memref<64x128xf32, #tpu.memory_space<vmem_shared>>
    tpu.enqueue_dma source(%arg9 : memref<64x128xf32, #tpu.memory_space<vmem>>) target(%dma_start3A_63 : memref<64x128xf32, #tpu.memory_space<vmem_shared>>) target_semaphore(%arg17 : memref<!tpu.dma_semaphore, #tpu.memory_space<semaphore_mem>>)
    %mul3A_64 = arith.constant 256 : i32
    %mul3A_65 = arith.muli %arg1, %mul3A_64 : i32
    %add3A_66 = arith.constant 128 : i32
    %add3A_67 = arith.addi %mul3A_65, %add3A_66 : i32
    %dma_start3A_68 = arith.constant 0 : i32
    %dma_start3A_69 = tpu.memref_slice %arg7[%add3A_67, %dma_start3A_68] : memref<4096x128xf32, #tpu.memory_space<vmem_shared>> -> memref<64x128xf32, #tpu.memory_space<vmem_shared>>
    %dma_start3A_70 = arith.constant 0 : i32
    %dma_start3A_71 = tpu.memref_slice %arg7[%add3A_67, %dma_start3A_70] : memref<4096x128xf32, #tpu.memory_space<vmem_shared>> -> memref<64x128xf32, #tpu.memory_space<vmem_shared>>
    tpu.enqueue_dma source(%dma_start3A_71 : memref<64x128xf32, #tpu.memory_space<vmem_shared>>) target(%arg10 : memref<64x128xf32, #tpu.memory_space<vmem>>) target_semaphore(%arg15 : memref<!tpu.dma_semaphore, #tpu.memory_space<semaphore_mem>>)
    %dma_wait3A_72 = arith.constant 0 : i32
    %dma_wait3A_73 = tpu.memref_slice %arg7[%add3A_67, %dma_wait3A_72] : memref<4096x128xf32, #tpu.memory_space<vmem_shared>> -> memref<64x128xf32, #tpu.memory_space<vmem_shared>>
    %dma_wait3A_74 = arith.constant 0 : i32
    %dma_wait3A_75 = tpu.memref_slice %arg7[%add3A_67, %dma_wait3A_74] : memref<4096x128xf32, #tpu.memory_space<vmem_shared>> -> memref<64x128xf32, #tpu.memory_space<vmem_shared>>
    tpu.wait_dma2 semaphore(%arg15 : memref<!tpu.dma_semaphore, #tpu.memory_space<semaphore_mem>>) src(%dma_wait3A_75 : memref<64x128xf32, #tpu.memory_space<vmem_shared>>) dst(%arg10 : memref<64x128xf32, #tpu.memory_space<vmem>>)
    %add3A_76 = arith.constant 4096 : i32
    %add3A_77 = arith.addi %add3A_76, %add3A_67 : i32
    %dma_start3A_78 = arith.constant 0 : i32
    %dma_start3A_79 = tpu.memref_slice %arg6[%add3A_77, %dma_start3A_78] : memref<8192x128xf32, #tpu.memory_space<vmem_shared>> -> memref<64x128xf32, #tpu.memory_space<vmem_shared>>
    %dma_start3A_80 = arith.constant 0 : i32
    %dma_start3A_81 = tpu.memref_slice %arg6[%add3A_77, %dma_start3A_80] : memref<8192x128xf32, #tpu.memory_space<vmem_shared>> -> memref<64x128xf32, #tpu.memory_space<vmem_shared>>
    tpu.enqueue_dma source(%arg10 : memref<64x128xf32, #tpu.memory_space<vmem>>) target(%dma_start3A_81 : memref<64x128xf32, #tpu.memory_space<vmem_shared>>) target_semaphore(%arg18 : memref<!tpu.dma_semaphore, #tpu.memory_space<semaphore_mem>>)
    %mul3A_82 = arith.constant 256 : i32
    %mul3A_83 = arith.muli %arg1, %mul3A_82 : i32
    %add3A_84 = arith.constant 192 : i32
    %add3A_85 = arith.addi %mul3A_83, %add3A_84 : i32
    %dma_wait3A_86 = arith.constant 4096 : i32
    %dma_wait3A_87 = arith.constant 0 : i32
    %dma_wait3A_88 = tpu.memref_slice %arg6[%dma_wait3A_86, %dma_wait3A_87] : memref<8192x128xf32, #tpu.memory_space<vmem_shared>> -> memref<64x128xf32, #tpu.memory_space<vmem_shared>>
    %dma_wait3A_89 = arith.constant 4096 : i32
    %dma_wait3A_90 = arith.constant 0 : i32
    %dma_wait3A_91 = tpu.memref_slice %arg6[%dma_wait3A_89, %dma_wait3A_90] : memref<8192x128xf32, #tpu.memory_space<vmem_shared>> -> memref<64x128xf32, #tpu.memory_space<vmem_shared>>
    tpu.wait_dma2 semaphore(%arg16 : memref<!tpu.dma_semaphore, #tpu.memory_space<semaphore_mem>>) src(%arg8 : memref<64x128xf32, #tpu.memory_space<vmem>>) dst(%dma_wait3A_91 : memref<64x128xf32, #tpu.memory_space<vmem_shared>>)
    %dma_start3A_92 = arith.constant 0 : i32
    %dma_start3A_93 = tpu.memref_slice %arg7[%add3A_85, %dma_start3A_92] : memref<4096x128xf32, #tpu.memory_space<vmem_shared>> -> memref<64x128xf32, #tpu.memory_space<vmem_shared>>
    %dma_start3A_94 = arith.constant 0 : i32
    %dma_start3A_95 = tpu.memref_slice %arg7[%add3A_85, %dma_start3A_94] : memref<4096x128xf32, #tpu.memory_space<vmem_shared>> -> memref<64x128xf32, #tpu.memory_space<vmem_shared>>
    tpu.enqueue_dma source(%dma_start3A_95 : memref<64x128xf32, #tpu.memory_space<vmem_shared>>) target(%arg8 : memref<64x128xf32, #tpu.memory_space<vmem>>) target_semaphore(%arg13 : memref<!tpu.dma_semaphore, #tpu.memory_space<semaphore_mem>>)
    %dma_wait3A_96 = arith.constant 0 : i32
    %dma_wait3A_97 = tpu.memref_slice %arg7[%add3A_85, %dma_wait3A_96] : memref<4096x128xf32, #tpu.memory_space<vmem_shared>> -> memref<64x128xf32, #tpu.memory_space<vmem_shared>>
    %dma_wait3A_98 = arith.constant 0 : i32
    %dma_wait3A_99 = tpu.memref_slice %arg7[%add3A_85, %dma_wait3A_98] : memref<4096x128xf32, #tpu.memory_space<vmem_shared>> -> memref<64x128xf32, #tpu.memory_space<vmem_shared>>
    tpu.wait_dma2 semaphore(%arg13 : memref<!tpu.dma_semaphore, #tpu.memory_space<semaphore_mem>>) src(%dma_wait3A_99 : memref<64x128xf32, #tpu.memory_space<vmem_shared>>) dst(%arg8 : memref<64x128xf32, #tpu.memory_space<vmem>>)
    %add3A_100 = arith.constant 4096 : i32
    %add3A_101 = arith.addi %add3A_100, %add3A_85 : i32
    %dma_start3A_102 = arith.constant 0 : i32
    %dma_start3A_103 = tpu.memref_slice %arg6[%add3A_101, %dma_start3A_102] : memref<8192x128xf32, #tpu.memory_space<vmem_shared>> -> memref<64x128xf32, #tpu.memory_space<vmem_shared>>
    %dma_start3A_104 = arith.constant 0 : i32
    %dma_start3A_105 = tpu.memref_slice %arg6[%add3A_101, %dma_start3A_104] : memref<8192x128xf32, #tpu.memory_space<vmem_shared>> -> memref<64x128xf32, #tpu.memory_space<vmem_shared>>
    tpu.enqueue_dma source(%arg8 : memref<64x128xf32, #tpu.memory_space<vmem>>) target(%dma_start3A_105 : memref<64x128xf32, #tpu.memory_space<vmem_shared>>) target_semaphore(%arg16 : memref<!tpu.dma_semaphore, #tpu.memory_space<semaphore_mem>>)
    %dma_wait3A_106 = arith.constant 4096 : i32
    %dma_wait3A_107 = arith.constant 0 : i32
    %dma_wait3A_108 = tpu.memref_slice %arg6[%dma_wait3A_106, %dma_wait3A_107] : memref<8192x128xf32, #tpu.memory_space<vmem_shared>> -> memref<64x128xf32, #tpu.memory_space<vmem_shared>>
    %dma_wait3A_109 = arith.constant 4096 : i32
    %dma_wait3A_110 = arith.constant 0 : i32
    %dma_wait3A_111 = tpu.memref_slice %arg6[%dma_wait3A_109, %dma_wait3A_110] : memref<8192x128xf32, #tpu.memory_space<vmem_shared>> -> memref<64x128xf32, #tpu.memory_space<vmem_shared>>
    tpu.wait_dma2 semaphore(%arg17 : memref<!tpu.dma_semaphore, #tpu.memory_space<semaphore_mem>>) src(%arg9 : memref<64x128xf32, #tpu.memory_space<vmem>>) dst(%dma_wait3A_111 : memref<64x128xf32, #tpu.memory_space<vmem_shared>>)
    %dma_wait3A_112 = arith.constant 4096 : i32
    %dma_wait3A_113 = arith.constant 0 : i32
    %dma_wait3A_114 = tpu.memref_slice %arg6[%dma_wait3A_112, %dma_wait3A_113] : memref<8192x128xf32, #tpu.memory_space<vmem_shared>> -> memref<64x128xf32, #tpu.memory_space<vmem_shared>>
    %dma_wait3A_115 = arith.constant 4096 : i32
    %dma_wait3A_116 = arith.constant 0 : i32
    %dma_wait3A_117 = tpu.memref_slice %arg6[%dma_wait3A_115, %dma_wait3A_116] : memref<8192x128xf32, #tpu.memory_space<vmem_shared>> -> memref<64x128xf32, #tpu.memory_space<vmem_shared>>
    tpu.wait_dma2 semaphore(%arg18 : memref<!tpu.dma_semaphore, #tpu.memory_space<semaphore_mem>>) src(%arg10 : memref<64x128xf32, #tpu.memory_space<vmem>>) dst(%dma_wait3A_117 : memref<64x128xf32, #tpu.memory_space<vmem_shared>>)
    %dma_wait3A_118 = arith.constant 4096 : i32
    %dma_wait3A_119 = arith.constant 0 : i32
    %dma_wait3A_120 = tpu.memref_slice %arg6[%dma_wait3A_118, %dma_wait3A_119] : memref<8192x128xf32, #tpu.memory_space<vmem_shared>> -> memref<64x128xf32, #tpu.memory_space<vmem_shared>>
    %dma_wait3A_121 = arith.constant 4096 : i32
    %dma_wait3A_122 = arith.constant 0 : i32
    %dma_wait3A_123 = tpu.memref_slice %arg6[%dma_wait3A_121, %dma_wait3A_122] : memref<8192x128xf32, #tpu.memory_space<vmem_shared>> -> memref<64x128xf32, #tpu.memory_space<vmem_shared>>
    tpu.wait_dma2 semaphore(%arg16 : memref<!tpu.dma_semaphore, #tpu.memory_space<semaphore_mem>>) src(%arg8 : memref<64x128xf32, #tpu.memory_space<vmem>>) dst(%dma_wait3A_123 : memref<64x128xf32, #tpu.memory_space<vmem_shared>>)
    %scan3A = arith.constant 0 : i32
    %scan3A_124 = arith.constant 0 : i32
    %scan3A_125 = arith.constant 8 : i32
    %scan3A_126 = arith.addi %scan3A_124, %scan3A_125 : i32
    %scan3A_127 = arith.constant 1 : i32
    scf.for %scan3A_129 = %scan3A_124 to %scan3A_126 step %scan3A_127  : i32 {
      %dma_wait3A_130 = arith.constant 0 : i32
      %dma_wait3A_131 = arith.constant 0 : i32
      %dma_wait3A_132 = tpu.memref_slice %arg6[%dma_wait3A_130, %dma_wait3A_131] : memref<8192x128xf32, #tpu.memory_space<vmem_shared>> -> memref<256x128xf32, #tpu.memory_space<vmem_shared>>
      %dma_wait3A_133 = arith.constant 0 : i32
      %dma_wait3A_134 = arith.constant 0 : i32
      %dma_wait3A_135 = tpu.memref_slice %arg3[%dma_wait3A_133, %dma_wait3A_134] : memref<8192x2048xf32, #tpu.memory_space<hbm>> -> memref<256x128xf32, #tpu.memory_space<hbm>>
      tpu.wait_dma2 semaphore(%arg11 : memref<!tpu.dma_semaphore, #tpu.memory_space<semaphore_mem>>) src(%dma_wait3A_135 : memref<256x128xf32, #tpu.memory_space<hbm>>) dst(%dma_wait3A_132 : memref<256x128xf32, #tpu.memory_space<vmem_shared>>)
      %barrier3A = arith.constant 0 : index
      tpu.barrier barrier_id(%barrier3A)
      %dma_start3A_136 = arith.constant 0 : i32
      %dma_start3A_137 = tpu.memref_slice %arg5[%dma_start3A_136] : memref<2048xi32, #tpu.memory_space<vmem>> -> memref<64xi32, #tpu.memory_space<vmem>>
      %dma_start3A_138 = arith.constant 0 : i32
      %dma_start3A_139 = arith.constant 0 : i32
      %dma_start3A_140 = tpu.memref_slice %arg6[%dma_start3A_138, %dma_start3A_139] : memref<8192x128xf32, #tpu.memory_space<vmem_shared>> -> memref<8192x128xf32, #tpu.memory_space<vmem_shared>>
      tpu.enqueue_indirect_dma source(%dma_start3A_140 : memref<8192x128xf32, #tpu.memory_space<vmem_shared>>) target(%arg8 : memref<64x128xf32, #tpu.memory_space<vmem>>) offsets(%dma_start3A_137 : memref<64xi32, #tpu.memory_space<vmem>>) semaphore(%arg13 : memref<!tpu.dma_semaphore, #tpu.memory_space<semaphore_mem>>)
      %dma_start3A_141 = arith.constant 64 : i32
      %dma_start3A_142 = tpu.memref_slice %arg5[%dma_start3A_141] : memref<2048xi32, #tpu.memory_space<vmem>> -> memref<64xi32, #tpu.memory_space<vmem>>
      %dma_start3A_143 = arith.constant 0 : i32
      %dma_start3A_144 = arith.constant 0 : i32
      %dma_start3A_145 = tpu.memref_slice %arg6[%dma_start3A_143, %dma_start3A_144] : memref<8192x128xf32, #tpu.memory_space<vmem_shared>> -> memref<8192x128xf32, #tpu.memory_space<vmem_shared>>
      tpu.enqueue_indirect_dma source(%dma_start3A_145 : memref<8192x128xf32, #tpu.memory_space<vmem_shared>>) target(%arg9 : memref<64x128xf32, #tpu.memory_space<vmem>>) offsets(%dma_start3A_142 : memref<64xi32, #tpu.memory_space<vmem>>) semaphore(%arg14 : memref<!tpu.dma_semaphore, #tpu.memory_space<semaphore_mem>>)
      %dma_start3A_146 = arith.constant 128 : i32
      %dma_start3A_147 = tpu.memref_slice %arg5[%dma_start3A_146] : memref<2048xi32, #tpu.memory_space<vmem>> -> memref<64xi32, #tpu.memory_space<vmem>>
      %dma_start3A_148 = arith.constant 0 : i32
      %dma_start3A_149 = arith.constant 0 : i32
      %dma_start3A_150 = tpu.memref_slice %arg6[%dma_start3A_148, %dma_start3A_149] : memref<8192x128xf32, #tpu.memory_space<vmem_shared>> -> memref<8192x128xf32, #tpu.memory_space<vmem_shared>>
      tpu.enqueue_indirect_dma source(%dma_start3A_150 : memref<8192x128xf32, #tpu.memory_space<vmem_shared>>) target(%arg10 : memref<64x128xf32, #tpu.memory_space<vmem>>) offsets(%dma_start3A_147 : memref<64xi32, #tpu.memory_space<vmem>>) semaphore(%arg15 : memref<!tpu.dma_semaphore, #tpu.memory_space<semaphore_mem>>)
      %dma_wait3A_151 = arith.constant 0 : i32
      %dma_wait3A_152 = tpu.memref_slice %arg5[%dma_wait3A_151] : memref<2048xi32, #tpu.memory_space<vmem>> -> memref<64xi32, #tpu.memory_space<vmem>>
      %dma_wait3A_153 = arith.constant 0 : i32
      %dma_wait3A_154 = arith.constant 0 : i32
      %dma_wait3A_155 = tpu.memref_slice %arg6[%dma_wait3A_153, %dma_wait3A_154] : memref<8192x128xf32, #tpu.memory_space<vmem_shared>> -> memref<8192x128xf32, #tpu.memory_space<vmem_shared>>
      tpu.wait_indirect_dma semaphore(%arg13 : memref<!tpu.dma_semaphore, #tpu.memory_space<semaphore_mem>>) src(%dma_wait3A_155 : memref<8192x128xf32, #tpu.memory_space<vmem_shared>>) dst(%arg8 : memref<64x128xf32, #tpu.memory_space<vmem>>)
      %add3A_156 = arith.constant 0 : i32
      %add3A_157 = arith.addi %mul3A_0, %add3A_156 : i32
      %mul3A_158 = arith.constant 8 : i32
      %mul3A_159 = arith.muli %arg0, %mul3A_158 : i32
      %add3A_160 = arith.addi %mul3A_159, %scan3A_129 : i32
      %mul3A_161 = arith.constant 128 : i32
      %mul3A_162 = arith.muli %add3A_160, %mul3A_161 : i32
      %dma_start3A_163 = tpu.memref_slice %arg4[%add3A_157, %mul3A_162] : memref<32768x2048xf32, #tpu.memory_space<hbm>> -> memref<64x128xf32, #tpu.memory_space<hbm>>
      %dma_start3A_164 = tpu.memref_slice %arg4[%add3A_157, %mul3A_162] : memref<32768x2048xf32, #tpu.memory_space<hbm>> -> memref<64x128xf32, #tpu.memory_space<hbm>>
      tpu.enqueue_dma source(%arg8 : memref<64x128xf32, #tpu.memory_space<vmem>>) target(%dma_start3A_164 : memref<64x128xf32, #tpu.memory_space<hbm>>) target_semaphore(%arg16 : memref<!tpu.dma_semaphore, #tpu.memory_space<semaphore_mem>>)
      %dma_wait3A_165 = arith.constant 0 : i32
      %dma_wait3A_166 = arith.constant 0 : i32
      %dma_wait3A_167 = tpu.memref_slice %arg4[%dma_wait3A_165, %dma_wait3A_166] : memref<32768x2048xf32, #tpu.memory_space<hbm>> -> memref<64x128xf32, #tpu.memory_space<hbm>>
      %dma_wait3A_168 = arith.constant 0 : i32
      %dma_wait3A_169 = arith.constant 0 : i32
      %dma_wait3A_170 = tpu.memref_slice %arg4[%dma_wait3A_168, %dma_wait3A_169] : memref<32768x2048xf32, #tpu.memory_space<hbm>> -> memref<64x128xf32, #tpu.memory_space<hbm>>
      tpu.wait_dma2 semaphore(%arg16 : memref<!tpu.dma_semaphore, #tpu.memory_space<semaphore_mem>>) src(%arg8 : memref<64x128xf32, #tpu.memory_space<vmem>>) dst(%dma_wait3A_170 : memref<64x128xf32, #tpu.memory_space<hbm>>)
      %dma_start3A_171 = arith.constant 192 : i32
      %dma_start3A_172 = tpu.memref_slice %arg5[%dma_start3A_171] : memref<2048xi32, #tpu.memory_space<vmem>> -> memref<64xi32, #tpu.memory_space<vmem>>
      %dma_start3A_173 = arith.constant 0 : i32
      %dma_start3A_174 = arith.constant 0 : i32
      %dma_start3A_175 = tpu.memref_slice %arg6[%dma_start3A_173, %dma_start3A_174] : memref<8192x128xf32, #tpu.memory_space<vmem_shared>> -> memref<8192x128xf32, #tpu.memory_space<vmem_shared>>
      tpu.enqueue_indirect_dma source(%dma_start3A_175 : memref<8192x128xf32, #tpu.memory_space<vmem_shared>>) target(%arg8 : memref<64x128xf32, #tpu.memory_space<vmem>>) offsets(%dma_start3A_172 : memref<64xi32, #tpu.memory_space<vmem>>) semaphore(%arg13 : memref<!tpu.dma_semaphore, #tpu.memory_space<semaphore_mem>>)
      %dma_wait3A_176 = arith.constant 0 : i32
      %dma_wait3A_177 = tpu.memref_slice %arg5[%dma_wait3A_176] : memref<2048xi32, #tpu.memory_space<vmem>> -> memref<64xi32, #tpu.memory_space<vmem>>
      %dma_wait3A_178 = arith.constant 0 : i32
      %dma_wait3A_179 = arith.constant 0 : i32
      %dma_wait3A_180 = tpu.memref_slice %arg6[%dma_wait3A_178, %dma_wait3A_179] : memref<8192x128xf32, #tpu.memory_space<vmem_shared>> -> memref<8192x128xf32, #tpu.memory_space<vmem_shared>>
      tpu.wait_indirect_dma semaphore(%arg14 : memref<!tpu.dma_semaphore, #tpu.memory_space<semaphore_mem>>) src(%dma_wait3A_180 : memref<8192x128xf32, #tpu.memory_space<vmem_shared>>) dst(%arg9 : memref<64x128xf32, #tpu.memory_space<vmem>>)
      %add3A_181 = arith.constant 64 : i32
      %add3A_182 = arith.addi %mul3A_0, %add3A_181 : i32
      %mul3A_183 = arith.constant 8 : i32
      %mul3A_184 = arith.muli %arg0, %mul3A_183 : i32
      %add3A_185 = arith.addi %mul3A_184, %scan3A_129 : i32
      %mul3A_186 = arith.constant 128 : i32
      %mul3A_187 = arith.muli %add3A_185, %mul3A_186 : i32
      %dma_start3A_188 = tpu.memref_slice %arg4[%add3A_182, %mul3A_187] : memref<32768x2048xf32, #tpu.memory_space<hbm>> -> memref<64x128xf32, #tpu.memory_space<hbm>>
      %dma_start3A_189 = tpu.memref_slice %arg4[%add3A_182, %mul3A_187] : memref<32768x2048xf32, #tpu.memory_space<hbm>> -> memref<64x128xf32, #tpu.memory_space<hbm>>
      tpu.enqueue_dma source(%arg9 : memref<64x128xf32, #tpu.memory_space<vmem>>) target(%dma_start3A_189 : memref<64x128xf32, #tpu.memory_space<hbm>>) target_semaphore(%arg17 : memref<!tpu.dma_semaphore, #tpu.memory_space<semaphore_mem>>)
      %dma_wait3A_190 = arith.constant 0 : i32
      %dma_wait3A_191 = arith.constant 0 : i32
      %dma_wait3A_192 = tpu.memref_slice %arg4[%dma_wait3A_190, %dma_wait3A_191] : memref<32768x2048xf32, #tpu.memory_space<hbm>> -> memref<64x128xf32, #tpu.memory_space<hbm>>
      %dma_wait3A_193 = arith.constant 0 : i32
      %dma_wait3A_194 = arith.constant 0 : i32
      %dma_wait3A_195 = tpu.memref_slice %arg4[%dma_wait3A_193, %dma_wait3A_194] : memref<32768x2048xf32, #tpu.memory_space<hbm>> -> memref<64x128xf32, #tpu.memory_space<hbm>>
      tpu.wait_dma2 semaphore(%arg17 : memref<!tpu.dma_semaphore, #tpu.memory_space<semaphore_mem>>) src(%arg9 : memref<64x128xf32, #tpu.memory_space<vmem>>) dst(%dma_wait3A_195 : memref<64x128xf32, #tpu.memory_space<hbm>>)
      %dma_start3A_196 = arith.constant 256 : i32
      %dma_start3A_197 = tpu.memref_slice %arg5[%dma_start3A_196] : memref<2048xi32, #tpu.memory_space<vmem>> -> memref<64xi32, #tpu.memory_space<vmem>>
      %dma_start3A_198 = arith.constant 0 : i32
      %dma_start3A_199 = arith.constant 0 : i32
      %dma_start3A_200 = tpu.memref_slice %arg6[%dma_start3A_198, %dma_start3A_199] : memref<8192x128xf32, #tpu.memory_space<vmem_shared>> -> memref<8192x128xf32, #tpu.memory_space<vmem_shared>>
      tpu.enqueue_indirect_dma source(%dma_start3A_200 : memref<8192x128xf32, #tpu.memory_space<vmem_shared>>) target(%arg9 : memref<64x128xf32, #tpu.memory_space<vmem>>) offsets(%dma_start3A_197 : memref<64xi32, #tpu.memory_space<vmem>>) semaphore(%arg14 : memref<!tpu.dma_semaphore, #tpu.memory_space<semaphore_mem>>)
      %dma_wait3A_201 = arith.constant 0 : i32
      %dma_wait3A_202 = tpu.memref_slice %arg5[%dma_wait3A_201] : memref<2048xi32, #tpu.memory_space<vmem>> -> memref<64xi32, #tpu.memory_space<vmem>>
      %dma_wait3A_203 = arith.constant 0 : i32
      %dma_wait3A_204 = arith.constant 0 : i32
      %dma_wait3A_205 = tpu.memref_slice %arg6[%dma_wait3A_203, %dma_wait3A_204] : memref<8192x128xf32, #tpu.memory_space<vmem_shared>> -> memref<8192x128xf32, #tpu.memory_space<vmem_shared>>
      tpu.wait_indirect_dma semaphore(%arg15 : memref<!tpu.dma_semaphore, #tpu.memory_space<semaphore_mem>>) src(%dma_wait3A_205 : memref<8192x128xf32, #tpu.memory_space<vmem_shared>>) dst(%arg10 : memref<64x128xf32, #tpu.memory_space<vmem>>)
      %add3A_206 = arith.constant 128 : i32
      %add3A_207 = arith.addi %mul3A_0, %add3A_206 : i32
      %mul3A_208 = arith.constant 8 : i32
      %mul3A_209 = arith.muli %arg0, %mul3A_208 : i32
      %add3A_210 = arith.addi %mul3A_209, %scan3A_129 : i32
      %mul3A_211 = arith.constant 128 : i32
      %mul3A_212 = arith.muli %add3A_210, %mul3A_211 : i32
      %dma_start3A_213 = tpu.memref_slice %arg4[%add3A_207, %mul3A_212] : memref<32768x2048xf32, #tpu.memory_space<hbm>> -> memref<64x128xf32, #tpu.memory_space<hbm>>
      %dma_start3A_214 = tpu.memref_slice %arg4[%add3A_207, %mul3A_212] : memref<32768x2048xf32, #tpu.memory_space<hbm>> -> memref<64x128xf32, #tpu.memory_space<hbm>>
      tpu.enqueue_dma source(%arg10 : memref<64x128xf32, #tpu.memory_space<vmem>>) target(%dma_start3A_214 : memref<64x128xf32, #tpu.memory_space<hbm>>) target_semaphore(%arg18 : memref<!tpu.dma_semaphore, #tpu.memory_space<semaphore_mem>>)
      %lt3A = arith.constant 7 : i32
      %lt3A_215 = arith.cmpi slt, %scan3A_129, %lt3A : i32
      %convert_element_type3A = arith.extui %lt3A_215 : i1 to i32
      %cond3A = arith.constant 0 : i32
      %cond3A_216 = arith.cmpi ne, %convert_element_type3A, %cond3A : i32
      scf.if %cond3A_216 {
        %add3A_949 = arith.constant 1 : i32
        %add3A_950 = arith.addi %scan3A_129, %add3A_949 : i32
        %mul3A_951 = arith.constant 256 : i32
        %mul3A_952 = arith.muli %arg1, %mul3A_951 : i32
        %add3A_953 = arith.constant 4096 : i32
        %add3A_954 = arith.addi %add3A_953, %mul3A_952 : i32
        %mul3A_955 = arith.constant 8 : i32
        %mul3A_956 = arith.muli %arg0, %mul3A_955 : i32
        %add3A_957 = arith.addi %mul3A_956, %add3A_950 : i32
        %mul3A_958 = arith.constant 128 : i32
        %mul3A_959 = arith.muli %add3A_957, %mul3A_958 : i32
        %dma_start3A_960 = arith.constant 0 : i32
        %dma_start3A_961 = tpu.memref_slice %arg7[%mul3A_952, %dma_start3A_960] : memref<4096x128xf32, #tpu.memory_space<vmem_shared>> -> memref<256x128xf32, #tpu.memory_space<vmem_shared>>
        %dma_start3A_962 = tpu.memref_slice %arg3[%add3A_954, %mul3A_959] : memref<8192x2048xf32, #tpu.memory_space<hbm>> -> memref<256x128xf32, #tpu.memory_space<hbm>>
        tpu.enqueue_dma source(%dma_start3A_962 : memref<256x128xf32, #tpu.memory_space<hbm>>) target(%dma_start3A_961 : memref<256x128xf32, #tpu.memory_space<vmem_shared>>) target_semaphore(%arg12 : memref<!tpu.dma_semaphore, #tpu.memory_space<semaphore_mem>>)
      } else {
      }
      %dma_wait3A_217 = arith.constant 0 : i32
      %dma_wait3A_218 = arith.constant 0 : i32
      %dma_wait3A_219 = tpu.memref_slice %arg4[%dma_wait3A_217, %dma_wait3A_218] : memref<32768x2048xf32, #tpu.memory_space<hbm>> -> memref<64x128xf32, #tpu.memory_space<hbm>>
      %dma_wait3A_220 = arith.constant 0 : i32
      %dma_wait3A_221 = arith.constant 0 : i32
      %dma_wait3A_222 = tpu.memref_slice %arg4[%dma_wait3A_220, %dma_wait3A_221] : memref<32768x2048xf32, #tpu.memory_space<hbm>> -> memref<64x128xf32, #tpu.memory_space<hbm>>
      tpu.wait_dma2 semaphore(%arg18 : memref<!tpu.dma_semaphore, #tpu.memory_space<semaphore_mem>>) src(%arg10 : memref<64x128xf32, #tpu.memory_space<vmem>>) dst(%dma_wait3A_222 : memref<64x128xf32, #tpu.memory_space<hbm>>)
      %dma_start3A_223 = arith.constant 320 : i32
      %dma_start3A_224 = tpu.memref_slice %arg5[%dma_start3A_223] : memref<2048xi32, #tpu.memory_space<vmem>> -> memref<64xi32, #tpu.memory_space<vmem>>
      %dma_start3A_225 = arith.constant 0 : i32
      %dma_start3A_226 = arith.constant 0 : i32
      %dma_start3A_227 = tpu.memref_slice %arg6[%dma_start3A_225, %dma_start3A_226] : memref<8192x128xf32, #tpu.memory_space<vmem_shared>> -> memref<8192x128xf32, #tpu.memory_space<vmem_shared>>
      tpu.enqueue_indirect_dma source(%dma_start3A_227 : memref<8192x128xf32, #tpu.memory_space<vmem_shared>>) target(%arg10 : memref<64x128xf32, #tpu.memory_space<vmem>>) offsets(%dma_start3A_224 : memref<64xi32, #tpu.memory_space<vmem>>) semaphore(%arg15 : memref<!tpu.dma_semaphore, #tpu.memory_space<semaphore_mem>>)
      %dma_wait3A_228 = arith.constant 0 : i32
      %dma_wait3A_229 = tpu.memref_slice %arg5[%dma_wait3A_228] : memref<2048xi32, #tpu.memory_space<vmem>> -> memref<64xi32, #tpu.memory_space<vmem>>
      %dma_wait3A_230 = arith.constant 0 : i32
      %dma_wait3A_231 = arith.constant 0 : i32
      %dma_wait3A_232 = tpu.memref_slice %arg6[%dma_wait3A_230, %dma_wait3A_231] : memref<8192x128xf32, #tpu.memory_space<vmem_shared>> -> memref<8192x128xf32, #tpu.memory_space<vmem_shared>>
      tpu.wait_indirect_dma semaphore(%arg13 : memref<!tpu.dma_semaphore, #tpu.memory_space<semaphore_mem>>) src(%dma_wait3A_232 : memref<8192x128xf32, #tpu.memory_space<vmem_shared>>) dst(%arg8 : memref<64x128xf32, #tpu.memory_space<vmem>>)
      %add3A_233 = arith.constant 192 : i32
      %add3A_234 = arith.addi %mul3A_0, %add3A_233 : i32
      %mul3A_235 = arith.constant 8 : i32
      %mul3A_236 = arith.muli %arg0, %mul3A_235 : i32
      %add3A_237 = arith.addi %mul3A_236, %scan3A_129 : i32
      %mul3A_238 = arith.constant 128 : i32
      %mul3A_239 = arith.muli %add3A_237, %mul3A_238 : i32
      %dma_start3A_240 = tpu.memref_slice %arg4[%add3A_234, %mul3A_239] : memref<32768x2048xf32, #tpu.memory_space<hbm>> -> memref<64x128xf32, #tpu.memory_space<hbm>>
      %dma_start3A_241 = tpu.memref_slice %arg4[%add3A_234, %mul3A_239] : memref<32768x2048xf32, #tpu.memory_space<hbm>> -> memref<64x128xf32, #tpu.memory_space<hbm>>
      tpu.enqueue_dma source(%arg8 : memref<64x128xf32, #tpu.memory_space<vmem>>) target(%dma_start3A_241 : memref<64x128xf32, #tpu.memory_space<hbm>>) target_semaphore(%arg16 : memref<!tpu.dma_semaphore, #tpu.memory_space<semaphore_mem>>)
      %dma_wait3A_242 = arith.constant 0 : i32
      %dma_wait3A_243 = arith.constant 0 : i32
      %dma_wait3A_244 = tpu.memref_slice %arg4[%dma_wait3A_242, %dma_wait3A_243] : memref<32768x2048xf32, #tpu.memory_space<hbm>> -> memref<64x128xf32, #tpu.memory_space<hbm>>
      %dma_wait3A_245 = arith.constant 0 : i32
      %dma_wait3A_246 = arith.constant 0 : i32
      %dma_wait3A_247 = tpu.memref_slice %arg4[%dma_wait3A_245, %dma_wait3A_246] : memref<32768x2048xf32, #tpu.memory_space<hbm>> -> memref<64x128xf32, #tpu.memory_space<hbm>>
      tpu.wait_dma2 semaphore(%arg16 : memref<!tpu.dma_semaphore, #tpu.memory_space<semaphore_mem>>) src(%arg8 : memref<64x128xf32, #tpu.memory_space<vmem>>) dst(%dma_wait3A_247 : memref<64x128xf32, #tpu.memory_space<hbm>>)
      %dma_start3A_248 = arith.constant 384 : i32
      %dma_start3A_249 = tpu.memref_slice %arg5[%dma_start3A_248] : memref<2048xi32, #tpu.memory_space<vmem>> -> memref<64xi32, #tpu.memory_space<vmem>>
      %dma_start3A_250 = arith.constant 0 : i32
      %dma_start3A_251 = arith.constant 0 : i32
      %dma_start3A_252 = tpu.memref_slice %arg6[%dma_start3A_250, %dma_start3A_251] : memref<8192x128xf32, #tpu.memory_space<vmem_shared>> -> memref<8192x128xf32, #tpu.memory_space<vmem_shared>>
      tpu.enqueue_indirect_dma source(%dma_start3A_252 : memref<8192x128xf32, #tpu.memory_space<vmem_shared>>) target(%arg8 : memref<64x128xf32, #tpu.memory_space<vmem>>) offsets(%dma_start3A_249 : memref<64xi32, #tpu.memory_space<vmem>>) semaphore(%arg13 : memref<!tpu.dma_semaphore, #tpu.memory_space<semaphore_mem>>)
      %dma_wait3A_253 = arith.constant 0 : i32
      %dma_wait3A_254 = tpu.memref_slice %arg5[%dma_wait3A_253] : memref<2048xi32, #tpu.memory_space<vmem>> -> memref<64xi32, #tpu.memory_space<vmem>>
      %dma_wait3A_255 = arith.constant 0 : i32
      %dma_wait3A_256 = arith.constant 0 : i32
      %dma_wait3A_257 = tpu.memref_slice %arg6[%dma_wait3A_255, %dma_wait3A_256] : memref<8192x128xf32, #tpu.memory_space<vmem_shared>> -> memref<8192x128xf32, #tpu.memory_space<vmem_shared>>
      tpu.wait_indirect_dma semaphore(%arg14 : memref<!tpu.dma_semaphore, #tpu.memory_space<semaphore_mem>>) src(%dma_wait3A_257 : memref<8192x128xf32, #tpu.memory_space<vmem_shared>>) dst(%arg9 : memref<64x128xf32, #tpu.memory_space<vmem>>)
      %add3A_258 = arith.constant 256 : i32
      %add3A_259 = arith.addi %mul3A_0, %add3A_258 : i32
      %mul3A_260 = arith.constant 8 : i32
      %mul3A_261 = arith.muli %arg0, %mul3A_260 : i32
      %add3A_262 = arith.addi %mul3A_261, %scan3A_129 : i32
      %mul3A_263 = arith.constant 128 : i32
      %mul3A_264 = arith.muli %add3A_262, %mul3A_263 : i32
      %dma_start3A_265 = tpu.memref_slice %arg4[%add3A_259, %mul3A_264] : memref<32768x2048xf32, #tpu.memory_space<hbm>> -> memref<64x128xf32, #tpu.memory_space<hbm>>
      %dma_start3A_266 = tpu.memref_slice %arg4[%add3A_259, %mul3A_264] : memref<32768x2048xf32, #tpu.memory_space<hbm>> -> memref<64x128xf32, #tpu.memory_space<hbm>>
      tpu.enqueue_dma source(%arg9 : memref<64x128xf32, #tpu.memory_space<vmem>>) target(%dma_start3A_266 : memref<64x128xf32, #tpu.memory_space<hbm>>) target_semaphore(%arg17 : memref<!tpu.dma_semaphore, #tpu.memory_space<semaphore_mem>>)
      %dma_wait3A_267 = arith.constant 0 : i32
      %dma_wait3A_268 = arith.constant 0 : i32
      %dma_wait3A_269 = tpu.memref_slice %arg4[%dma_wait3A_267, %dma_wait3A_268] : memref<32768x2048xf32, #tpu.memory_space<hbm>> -> memref<64x128xf32, #tpu.memory_space<hbm>>
      %dma_wait3A_270 = arith.constant 0 : i32
      %dma_wait3A_271 = arith.constant 0 : i32
      %dma_wait3A_272 = tpu.memref_slice %arg4[%dma_wait3A_270, %dma_wait3A_271] : memref<32768x2048xf32, #tpu.memory_space<hbm>> -> memref<64x128xf32, #tpu.memory_space<hbm>>
      tpu.wait_dma2 semaphore(%arg17 : memref<!tpu.dma_semaphore, #tpu.memory_space<semaphore_mem>>) src(%arg9 : memref<64x128xf32, #tpu.memory_space<vmem>>) dst(%dma_wait3A_272 : memref<64x128xf32, #tpu.memory_space<hbm>>)
      %dma_start3A_273 = arith.constant 448 : i32
      %dma_start3A_274 = tpu.memref_slice %arg5[%dma_start3A_273] : memref<2048xi32, #tpu.memory_space<vmem>> -> memref<64xi32, #tpu.memory_space<vmem>>
      %dma_start3A_275 = arith.constant 0 : i32
      %dma_start3A_276 = arith.constant 0 : i32
      %dma_start3A_277 = tpu.memref_slice %arg6[%dma_start3A_275, %dma_start3A_276] : memref<8192x128xf32, #tpu.memory_space<vmem_shared>> -> memref<8192x128xf32, #tpu.memory_space<vmem_shared>>
      tpu.enqueue_indirect_dma source(%dma_start3A_277 : memref<8192x128xf32, #tpu.memory_space<vmem_shared>>) target(%arg9 : memref<64x128xf32, #tpu.memory_space<vmem>>) offsets(%dma_start3A_274 : memref<64xi32, #tpu.memory_space<vmem>>) semaphore(%arg14 : memref<!tpu.dma_semaphore, #tpu.memory_space<semaphore_mem>>)
      %dma_wait3A_278 = arith.constant 0 : i32
      %dma_wait3A_279 = tpu.memref_slice %arg5[%dma_wait3A_278] : memref<2048xi32, #tpu.memory_space<vmem>> -> memref<64xi32, #tpu.memory_space<vmem>>
      %dma_wait3A_280 = arith.constant 0 : i32
      %dma_wait3A_281 = arith.constant 0 : i32
      %dma_wait3A_282 = tpu.memref_slice %arg6[%dma_wait3A_280, %dma_wait3A_281] : memref<8192x128xf32, #tpu.memory_space<vmem_shared>> -> memref<8192x128xf32, #tpu.memory_space<vmem_shared>>
      tpu.wait_indirect_dma semaphore(%arg15 : memref<!tpu.dma_semaphore, #tpu.memory_space<semaphore_mem>>) src(%dma_wait3A_282 : memref<8192x128xf32, #tpu.memory_space<vmem_shared>>) dst(%arg10 : memref<64x128xf32, #tpu.memory_space<vmem>>)
      %add3A_283 = arith.constant 320 : i32
      %add3A_284 = arith.addi %mul3A_0, %add3A_283 : i32
      %mul3A_285 = arith.constant 8 : i32
      %mul3A_286 = arith.muli %arg0, %mul3A_285 : i32
      %add3A_287 = arith.addi %mul3A_286, %scan3A_129 : i32
      %mul3A_288 = arith.constant 128 : i32
      %mul3A_289 = arith.muli %add3A_287, %mul3A_288 : i32
      %dma_start3A_290 = tpu.memref_slice %arg4[%add3A_284, %mul3A_289] : memref<32768x2048xf32, #tpu.memory_space<hbm>> -> memref<64x128xf32, #tpu.memory_space<hbm>>
      %dma_start3A_291 = tpu.memref_slice %arg4[%add3A_284, %mul3A_289] : memref<32768x2048xf32, #tpu.memory_space<hbm>> -> memref<64x128xf32, #tpu.memory_space<hbm>>
      tpu.enqueue_dma source(%arg10 : memref<64x128xf32, #tpu.memory_space<vmem>>) target(%dma_start3A_291 : memref<64x128xf32, #tpu.memory_space<hbm>>) target_semaphore(%arg18 : memref<!tpu.dma_semaphore, #tpu.memory_space<semaphore_mem>>)
      %dma_wait3A_292 = arith.constant 0 : i32
      %dma_wait3A_293 = arith.constant 0 : i32
      %dma_wait3A_294 = tpu.memref_slice %arg4[%dma_wait3A_292, %dma_wait3A_293] : memref<32768x2048xf32, #tpu.memory_space<hbm>> -> memref<64x128xf32, #tpu.memory_space<hbm>>
      %dma_wait3A_295 = arith.constant 0 : i32
      %dma_wait3A_296 = arith.constant 0 : i32
      %dma_wait3A_297 = tpu.memref_slice %arg4[%dma_wait3A_295, %dma_wait3A_296] : memref<32768x2048xf32, #tpu.memory_space<hbm>> -> memref<64x128xf32, #tpu.memory_space<hbm>>
      tpu.wait_dma2 semaphore(%arg18 : memref<!tpu.dma_semaphore, #tpu.memory_space<semaphore_mem>>) src(%arg10 : memref<64x128xf32, #tpu.memory_space<vmem>>) dst(%dma_wait3A_297 : memref<64x128xf32, #tpu.memory_space<hbm>>)
      %dma_start3A_298 = arith.constant 512 : i32
      %dma_start3A_299 = tpu.memref_slice %arg5[%dma_start3A_298] : memref<2048xi32, #tpu.memory_space<vmem>> -> memref<64xi32, #tpu.memory_space<vmem>>
      %dma_start3A_300 = arith.constant 0 : i32
      %dma_start3A_301 = arith.constant 0 : i32
      %dma_start3A_302 = tpu.memref_slice %arg6[%dma_start3A_300, %dma_start3A_301] : memref<8192x128xf32, #tpu.memory_space<vmem_shared>> -> memref<8192x128xf32, #tpu.memory_space<vmem_shared>>
      tpu.enqueue_indirect_dma source(%dma_start3A_302 : memref<8192x128xf32, #tpu.memory_space<vmem_shared>>) target(%arg10 : memref<64x128xf32, #tpu.memory_space<vmem>>) offsets(%dma_start3A_299 : memref<64xi32, #tpu.memory_space<vmem>>) semaphore(%arg15 : memref<!tpu.dma_semaphore, #tpu.memory_space<semaphore_mem>>)
      %dma_wait3A_303 = arith.constant 0 : i32
      %dma_wait3A_304 = tpu.memref_slice %arg5[%dma_wait3A_303] : memref<2048xi32, #tpu.memory_space<vmem>> -> memref<64xi32, #tpu.memory_space<vmem>>
      %dma_wait3A_305 = arith.constant 0 : i32
      %dma_wait3A_306 = arith.constant 0 : i32
      %dma_wait3A_307 = tpu.memref_slice %arg6[%dma_wait3A_305, %dma_wait3A_306] : memref<8192x128xf32, #tpu.memory_space<vmem_shared>> -> memref<8192x128xf32, #tpu.memory_space<vmem_shared>>
      tpu.wait_indirect_dma semaphore(%arg13 : memref<!tpu.dma_semaphore, #tpu.memory_space<semaphore_mem>>) src(%dma_wait3A_307 : memref<8192x128xf32, #tpu.memory_space<vmem_shared>>) dst(%arg8 : memref<64x128xf32, #tpu.memory_space<vmem>>)
      %add3A_308 = arith.constant 384 : i32
      %add3A_309 = arith.addi %mul3A_0, %add3A_308 : i32
      %mul3A_310 = arith.constant 8 : i32
      %mul3A_311 = arith.muli %arg0, %mul3A_310 : i32
      %add3A_312 = arith.addi %mul3A_311, %scan3A_129 : i32
      %mul3A_313 = arith.constant 128 : i32
      %mul3A_314 = arith.muli %add3A_312, %mul3A_313 : i32
      %dma_start3A_315 = tpu.memref_slice %arg4[%add3A_309, %mul3A_314] : memref<32768x2048xf32, #tpu.memory_space<hbm>> -> memref<64x128xf32, #tpu.memory_space<hbm>>
      %dma_start3A_316 = tpu.memref_slice %arg4[%add3A_309, %mul3A_314] : memref<32768x2048xf32, #tpu.memory_space<hbm>> -> memref<64x128xf32, #tpu.memory_space<hbm>>
      tpu.enqueue_dma source(%arg8 : memref<64x128xf32, #tpu.memory_space<vmem>>) target(%dma_start3A_316 : memref<64x128xf32, #tpu.memory_space<hbm>>) target_semaphore(%arg16 : memref<!tpu.dma_semaphore, #tpu.memory_space<semaphore_mem>>)
      %dma_wait3A_317 = arith.constant 0 : i32
      %dma_wait3A_318 = arith.constant 0 : i32
      %dma_wait3A_319 = tpu.memref_slice %arg4[%dma_wait3A_317, %dma_wait3A_318] : memref<32768x2048xf32, #tpu.memory_space<hbm>> -> memref<64x128xf32, #tpu.memory_space<hbm>>
      %dma_wait3A_320 = arith.constant 0 : i32
      %dma_wait3A_321 = arith.constant 0 : i32
      %dma_wait3A_322 = tpu.memref_slice %arg4[%dma_wait3A_320, %dma_wait3A_321] : memref<32768x2048xf32, #tpu.memory_space<hbm>> -> memref<64x128xf32, #tpu.memory_space<hbm>>
      tpu.wait_dma2 semaphore(%arg16 : memref<!tpu.dma_semaphore, #tpu.memory_space<semaphore_mem>>) src(%arg8 : memref<64x128xf32, #tpu.memory_space<vmem>>) dst(%dma_wait3A_322 : memref<64x128xf32, #tpu.memory_space<hbm>>)
      %dma_start3A_323 = arith.constant 576 : i32
      %dma_start3A_324 = tpu.memref_slice %arg5[%dma_start3A_323] : memref<2048xi32, #tpu.memory_space<vmem>> -> memref<64xi32, #tpu.memory_space<vmem>>
      %dma_start3A_325 = arith.constant 0 : i32
      %dma_start3A_326 = arith.constant 0 : i32
      %dma_start3A_327 = tpu.memref_slice %arg6[%dma_start3A_325, %dma_start3A_326] : memref<8192x128xf32, #tpu.memory_space<vmem_shared>> -> memref<8192x128xf32, #tpu.memory_space<vmem_shared>>
      tpu.enqueue_indirect_dma source(%dma_start3A_327 : memref<8192x128xf32, #tpu.memory_space<vmem_shared>>) target(%arg8 : memref<64x128xf32, #tpu.memory_space<vmem>>) offsets(%dma_start3A_324 : memref<64xi32, #tpu.memory_space<vmem>>) semaphore(%arg13 : memref<!tpu.dma_semaphore, #tpu.memory_space<semaphore_mem>>)
      %dma_wait3A_328 = arith.constant 0 : i32
      %dma_wait3A_329 = tpu.memref_slice %arg5[%dma_wait3A_328] : memref<2048xi32, #tpu.memory_space<vmem>> -> memref<64xi32, #tpu.memory_space<vmem>>
      %dma_wait3A_330 = arith.constant 0 : i32
      %dma_wait3A_331 = arith.constant 0 : i32
      %dma_wait3A_332 = tpu.memref_slice %arg6[%dma_wait3A_330, %dma_wait3A_331] : memref<8192x128xf32, #tpu.memory_space<vmem_shared>> -> memref<8192x128xf32, #tpu.memory_space<vmem_shared>>
      tpu.wait_indirect_dma semaphore(%arg14 : memref<!tpu.dma_semaphore, #tpu.memory_space<semaphore_mem>>) src(%dma_wait3A_332 : memref<8192x128xf32, #tpu.memory_space<vmem_shared>>) dst(%arg9 : memref<64x128xf32, #tpu.memory_space<vmem>>)
      %add3A_333 = arith.constant 448 : i32
      %add3A_334 = arith.addi %mul3A_0, %add3A_333 : i32
      %mul3A_335 = arith.constant 8 : i32
      %mul3A_336 = arith.muli %arg0, %mul3A_335 : i32
      %add3A_337 = arith.addi %mul3A_336, %scan3A_129 : i32
      %mul3A_338 = arith.constant 128 : i32
      %mul3A_339 = arith.muli %add3A_337, %mul3A_338 : i32
      %dma_start3A_340 = tpu.memref_slice %arg4[%add3A_334, %mul3A_339] : memref<32768x2048xf32, #tpu.memory_space<hbm>> -> memref<64x128xf32, #tpu.memory_space<hbm>>
      %dma_start3A_341 = tpu.memref_slice %arg4[%add3A_334, %mul3A_339] : memref<32768x2048xf32, #tpu.memory_space<hbm>> -> memref<64x128xf32, #tpu.memory_space<hbm>>
      tpu.enqueue_dma source(%arg9 : memref<64x128xf32, #tpu.memory_space<vmem>>) target(%dma_start3A_341 : memref<64x128xf32, #tpu.memory_space<hbm>>) target_semaphore(%arg17 : memref<!tpu.dma_semaphore, #tpu.memory_space<semaphore_mem>>)
      %dma_wait3A_342 = arith.constant 0 : i32
      %dma_wait3A_343 = arith.constant 0 : i32
      %dma_wait3A_344 = tpu.memref_slice %arg4[%dma_wait3A_342, %dma_wait3A_343] : memref<32768x2048xf32, #tpu.memory_space<hbm>> -> memref<64x128xf32, #tpu.memory_space<hbm>>
      %dma_wait3A_345 = arith.constant 0 : i32
      %dma_wait3A_346 = arith.constant 0 : i32
      %dma_wait3A_347 = tpu.memref_slice %arg4[%dma_wait3A_345, %dma_wait3A_346] : memref<32768x2048xf32, #tpu.memory_space<hbm>> -> memref<64x128xf32, #tpu.memory_space<hbm>>
      tpu.wait_dma2 semaphore(%arg17 : memref<!tpu.dma_semaphore, #tpu.memory_space<semaphore_mem>>) src(%arg9 : memref<64x128xf32, #tpu.memory_space<vmem>>) dst(%dma_wait3A_347 : memref<64x128xf32, #tpu.memory_space<hbm>>)
      %dma_start3A_348 = arith.constant 640 : i32
      %dma_start3A_349 = tpu.memref_slice %arg5[%dma_start3A_348] : memref<2048xi32, #tpu.memory_space<vmem>> -> memref<64xi32, #tpu.memory_space<vmem>>
      %dma_start3A_350 = arith.constant 0 : i32
      %dma_start3A_351 = arith.constant 0 : i32
      %dma_start3A_352 = tpu.memref_slice %arg6[%dma_start3A_350, %dma_start3A_351] : memref<8192x128xf32, #tpu.memory_space<vmem_shared>> -> memref<8192x128xf32, #tpu.memory_space<vmem_shared>>
      tpu.enqueue_indirect_dma source(%dma_start3A_352 : memref<8192x128xf32, #tpu.memory_space<vmem_shared>>) target(%arg9 : memref<64x128xf32, #tpu.memory_space<vmem>>) offsets(%dma_start3A_349 : memref<64xi32, #tpu.memory_space<vmem>>) semaphore(%arg14 : memref<!tpu.dma_semaphore, #tpu.memory_space<semaphore_mem>>)
      %dma_wait3A_353 = arith.constant 0 : i32
      %dma_wait3A_354 = tpu.memref_slice %arg5[%dma_wait3A_353] : memref<2048xi32, #tpu.memory_space<vmem>> -> memref<64xi32, #tpu.memory_space<vmem>>
      %dma_wait3A_355 = arith.constant 0 : i32
      %dma_wait3A_356 = arith.constant 0 : i32
      %dma_wait3A_357 = tpu.memref_slice %arg6[%dma_wait3A_355, %dma_wait3A_356] : memref<8192x128xf32, #tpu.memory_space<vmem_shared>> -> memref<8192x128xf32, #tpu.memory_space<vmem_shared>>
      tpu.wait_indirect_dma semaphore(%arg15 : memref<!tpu.dma_semaphore, #tpu.memory_space<semaphore_mem>>) src(%dma_wait3A_357 : memref<8192x128xf32, #tpu.memory_space<vmem_shared>>) dst(%arg10 : memref<64x128xf32, #tpu.memory_space<vmem>>)
      %add3A_358 = arith.constant 512 : i32
      %add3A_359 = arith.addi %mul3A_0, %add3A_358 : i32
      %mul3A_360 = arith.constant 8 : i32
      %mul3A_361 = arith.muli %arg0, %mul3A_360 : i32
      %add3A_362 = arith.addi %mul3A_361, %scan3A_129 : i32
      %mul3A_363 = arith.constant 128 : i32
      %mul3A_364 = arith.muli %add3A_362, %mul3A_363 : i32
      %dma_start3A_365 = tpu.memref_slice %arg4[%add3A_359, %mul3A_364] : memref<32768x2048xf32, #tpu.memory_space<hbm>> -> memref<64x128xf32, #tpu.memory_space<hbm>>
      %dma_start3A_366 = tpu.memref_slice %arg4[%add3A_359, %mul3A_364] : memref<32768x2048xf32, #tpu.memory_space<hbm>> -> memref<64x128xf32, #tpu.memory_space<hbm>>
      tpu.enqueue_dma source(%arg10 : memref<64x128xf32, #tpu.memory_space<vmem>>) target(%dma_start3A_366 : memref<64x128xf32, #tpu.memory_space<hbm>>) target_semaphore(%arg18 : memref<!tpu.dma_semaphore, #tpu.memory_space<semaphore_mem>>)
      %dma_wait3A_367 = arith.constant 0 : i32
      %dma_wait3A_368 = arith.constant 0 : i32
      %dma_wait3A_369 = tpu.memref_slice %arg4[%dma_wait3A_367, %dma_wait3A_368] : memref<32768x2048xf32, #tpu.memory_space<hbm>> -> memref<64x128xf32, #tpu.memory_space<hbm>>
      %dma_wait3A_370 = arith.constant 0 : i32
      %dma_wait3A_371 = arith.constant 0 : i32
      %dma_wait3A_372 = tpu.memref_slice %arg4[%dma_wait3A_370, %dma_wait3A_371] : memref<32768x2048xf32, #tpu.memory_space<hbm>> -> memref<64x128xf32, #tpu.memory_space<hbm>>
      tpu.wait_dma2 semaphore(%arg18 : memref<!tpu.dma_semaphore, #tpu.memory_space<semaphore_mem>>) src(%arg10 : memref<64x128xf32, #tpu.memory_space<vmem>>) dst(%dma_wait3A_372 : memref<64x128xf32, #tpu.memory_space<hbm>>)
      %dma_start3A_373 = arith.constant 704 : i32
      %dma_start3A_374 = tpu.memref_slice %arg5[%dma_start3A_373] : memref<2048xi32, #tpu.memory_space<vmem>> -> memref<64xi32, #tpu.memory_space<vmem>>
      %dma_start3A_375 = arith.constant 0 : i32
      %dma_start3A_376 = arith.constant 0 : i32
      %dma_start3A_377 = tpu.memref_slice %arg6[%dma_start3A_375, %dma_start3A_376] : memref<8192x128xf32, #tpu.memory_space<vmem_shared>> -> memref<8192x128xf32, #tpu.memory_space<vmem_shared>>
      tpu.enqueue_indirect_dma source(%dma_start3A_377 : memref<8192x128xf32, #tpu.memory_space<vmem_shared>>) target(%arg10 : memref<64x128xf32, #tpu.memory_space<vmem>>) offsets(%dma_start3A_374 : memref<64xi32, #tpu.memory_space<vmem>>) semaphore(%arg15 : memref<!tpu.dma_semaphore, #tpu.memory_space<semaphore_mem>>)
      %dma_wait3A_378 = arith.constant 0 : i32
      %dma_wait3A_379 = tpu.memref_slice %arg5[%dma_wait3A_378] : memref<2048xi32, #tpu.memory_space<vmem>> -> memref<64xi32, #tpu.memory_space<vmem>>
      %dma_wait3A_380 = arith.constant 0 : i32
      %dma_wait3A_381 = arith.constant 0 : i32
      %dma_wait3A_382 = tpu.memref_slice %arg6[%dma_wait3A_380, %dma_wait3A_381] : memref<8192x128xf32, #tpu.memory_space<vmem_shared>> -> memref<8192x128xf32, #tpu.memory_space<vmem_shared>>
      tpu.wait_indirect_dma semaphore(%arg13 : memref<!tpu.dma_semaphore, #tpu.memory_space<semaphore_mem>>) src(%dma_wait3A_382 : memref<8192x128xf32, #tpu.memory_space<vmem_shared>>) dst(%arg8 : memref<64x128xf32, #tpu.memory_space<vmem>>)
      %add3A_383 = arith.constant 576 : i32
      %add3A_384 = arith.addi %mul3A_0, %add3A_383 : i32
      %mul3A_385 = arith.constant 8 : i32
      %mul3A_386 = arith.muli %arg0, %mul3A_385 : i32
      %add3A_387 = arith.addi %mul3A_386, %scan3A_129 : i32
      %mul3A_388 = arith.constant 128 : i32
      %mul3A_389 = arith.muli %add3A_387, %mul3A_388 : i32
      %dma_start3A_390 = tpu.memref_slice %arg4[%add3A_384, %mul3A_389] : memref<32768x2048xf32, #tpu.memory_space<hbm>> -> memref<64x128xf32, #tpu.memory_space<hbm>>
      %dma_start3A_391 = tpu.memref_slice %arg4[%add3A_384, %mul3A_389] : memref<32768x2048xf32, #tpu.memory_space<hbm>> -> memref<64x128xf32, #tpu.memory_space<hbm>>
      tpu.enqueue_dma source(%arg8 : memref<64x128xf32, #tpu.memory_space<vmem>>) target(%dma_start3A_391 : memref<64x128xf32, #tpu.memory_space<hbm>>) target_semaphore(%arg16 : memref<!tpu.dma_semaphore, #tpu.memory_space<semaphore_mem>>)
      %dma_wait3A_392 = arith.constant 0 : i32
      %dma_wait3A_393 = arith.constant 0 : i32
      %dma_wait3A_394 = tpu.memref_slice %arg4[%dma_wait3A_392, %dma_wait3A_393] : memref<32768x2048xf32, #tpu.memory_space<hbm>> -> memref<64x128xf32, #tpu.memory_space<hbm>>
      %dma_wait3A_395 = arith.constant 0 : i32
      %dma_wait3A_396 = arith.constant 0 : i32
      %dma_wait3A_397 = tpu.memref_slice %arg4[%dma_wait3A_395, %dma_wait3A_396] : memref<32768x2048xf32, #tpu.memory_space<hbm>> -> memref<64x128xf32, #tpu.memory_space<hbm>>
      tpu.wait_dma2 semaphore(%arg16 : memref<!tpu.dma_semaphore, #tpu.memory_space<semaphore_mem>>) src(%arg8 : memref<64x128xf32, #tpu.memory_space<vmem>>) dst(%dma_wait3A_397 : memref<64x128xf32, #tpu.memory_space<hbm>>)
      %dma_start3A_398 = arith.constant 768 : i32
      %dma_start3A_399 = tpu.memref_slice %arg5[%dma_start3A_398] : memref<2048xi32, #tpu.memory_space<vmem>> -> memref<64xi32, #tpu.memory_space<vmem>>
      %dma_start3A_400 = arith.constant 0 : i32
      %dma_start3A_401 = arith.constant 0 : i32
      %dma_start3A_402 = tpu.memref_slice %arg6[%dma_start3A_400, %dma_start3A_401] : memref<8192x128xf32, #tpu.memory_space<vmem_shared>> -> memref<8192x128xf32, #tpu.memory_space<vmem_shared>>
      tpu.enqueue_indirect_dma source(%dma_start3A_402 : memref<8192x128xf32, #tpu.memory_space<vmem_shared>>) target(%arg8 : memref<64x128xf32, #tpu.memory_space<vmem>>) offsets(%dma_start3A_399 : memref<64xi32, #tpu.memory_space<vmem>>) semaphore(%arg13 : memref<!tpu.dma_semaphore, #tpu.memory_space<semaphore_mem>>)
      %dma_wait3A_403 = arith.constant 0 : i32
      %dma_wait3A_404 = tpu.memref_slice %arg5[%dma_wait3A_403] : memref<2048xi32, #tpu.memory_space<vmem>> -> memref<64xi32, #tpu.memory_space<vmem>>
      %dma_wait3A_405 = arith.constant 0 : i32
      %dma_wait3A_406 = arith.constant 0 : i32
      %dma_wait3A_407 = tpu.memref_slice %arg6[%dma_wait3A_405, %dma_wait3A_406] : memref<8192x128xf32, #tpu.memory_space<vmem_shared>> -> memref<8192x128xf32, #tpu.memory_space<vmem_shared>>
      tpu.wait_indirect_dma semaphore(%arg14 : memref<!tpu.dma_semaphore, #tpu.memory_space<semaphore_mem>>) src(%dma_wait3A_407 : memref<8192x128xf32, #tpu.memory_space<vmem_shared>>) dst(%arg9 : memref<64x128xf32, #tpu.memory_space<vmem>>)
      %add3A_408 = arith.constant 640 : i32
      %add3A_409 = arith.addi %mul3A_0, %add3A_408 : i32
      %mul3A_410 = arith.constant 8 : i32
      %mul3A_411 = arith.muli %arg0, %mul3A_410 : i32
      %add3A_412 = arith.addi %mul3A_411, %scan3A_129 : i32
      %mul3A_413 = arith.constant 128 : i32
      %mul3A_414 = arith.muli %add3A_412, %mul3A_413 : i32
      %dma_start3A_415 = tpu.memref_slice %arg4[%add3A_409, %mul3A_414] : memref<32768x2048xf32, #tpu.memory_space<hbm>> -> memref<64x128xf32, #tpu.memory_space<hbm>>
      %dma_start3A_416 = tpu.memref_slice %arg4[%add3A_409, %mul3A_414] : memref<32768x2048xf32, #tpu.memory_space<hbm>> -> memref<64x128xf32, #tpu.memory_space<hbm>>
      tpu.enqueue_dma source(%arg9 : memref<64x128xf32, #tpu.memory_space<vmem>>) target(%dma_start3A_416 : memref<64x128xf32, #tpu.memory_space<hbm>>) target_semaphore(%arg17 : memref<!tpu.dma_semaphore, #tpu.memory_space<semaphore_mem>>)
      %dma_wait3A_417 = arith.constant 0 : i32
      %dma_wait3A_418 = arith.constant 0 : i32
      %dma_wait3A_419 = tpu.memref_slice %arg4[%dma_wait3A_417, %dma_wait3A_418] : memref<32768x2048xf32, #tpu.memory_space<hbm>> -> memref<64x128xf32, #tpu.memory_space<hbm>>
      %dma_wait3A_420 = arith.constant 0 : i32
      %dma_wait3A_421 = arith.constant 0 : i32
      %dma_wait3A_422 = tpu.memref_slice %arg4[%dma_wait3A_420, %dma_wait3A_421] : memref<32768x2048xf32, #tpu.memory_space<hbm>> -> memref<64x128xf32, #tpu.memory_space<hbm>>
      tpu.wait_dma2 semaphore(%arg17 : memref<!tpu.dma_semaphore, #tpu.memory_space<semaphore_mem>>) src(%arg9 : memref<64x128xf32, #tpu.memory_space<vmem>>) dst(%dma_wait3A_422 : memref<64x128xf32, #tpu.memory_space<hbm>>)
      %dma_start3A_423 = arith.constant 832 : i32
      %dma_start3A_424 = tpu.memref_slice %arg5[%dma_start3A_423] : memref<2048xi32, #tpu.memory_space<vmem>> -> memref<64xi32, #tpu.memory_space<vmem>>
      %dma_start3A_425 = arith.constant 0 : i32
      %dma_start3A_426 = arith.constant 0 : i32
      %dma_start3A_427 = tpu.memref_slice %arg6[%dma_start3A_425, %dma_start3A_426] : memref<8192x128xf32, #tpu.memory_space<vmem_shared>> -> memref<8192x128xf32, #tpu.memory_space<vmem_shared>>
      tpu.enqueue_indirect_dma source(%dma_start3A_427 : memref<8192x128xf32, #tpu.memory_space<vmem_shared>>) target(%arg9 : memref<64x128xf32, #tpu.memory_space<vmem>>) offsets(%dma_start3A_424 : memref<64xi32, #tpu.memory_space<vmem>>) semaphore(%arg14 : memref<!tpu.dma_semaphore, #tpu.memory_space<semaphore_mem>>)
      %dma_wait3A_428 = arith.constant 0 : i32
      %dma_wait3A_429 = tpu.memref_slice %arg5[%dma_wait3A_428] : memref<2048xi32, #tpu.memory_space<vmem>> -> memref<64xi32, #tpu.memory_space<vmem>>
      %dma_wait3A_430 = arith.constant 0 : i32
      %dma_wait3A_431 = arith.constant 0 : i32
      %dma_wait3A_432 = tpu.memref_slice %arg6[%dma_wait3A_430, %dma_wait3A_431] : memref<8192x128xf32, #tpu.memory_space<vmem_shared>> -> memref<8192x128xf32, #tpu.memory_space<vmem_shared>>
      tpu.wait_indirect_dma semaphore(%arg15 : memref<!tpu.dma_semaphore, #tpu.memory_space<semaphore_mem>>) src(%dma_wait3A_432 : memref<8192x128xf32, #tpu.memory_space<vmem_shared>>) dst(%arg10 : memref<64x128xf32, #tpu.memory_space<vmem>>)
      %add3A_433 = arith.constant 704 : i32
      %add3A_434 = arith.addi %mul3A_0, %add3A_433 : i32
      %mul3A_435 = arith.constant 8 : i32
      %mul3A_436 = arith.muli %arg0, %mul3A_435 : i32
      %add3A_437 = arith.addi %mul3A_436, %scan3A_129 : i32
      %mul3A_438 = arith.constant 128 : i32
      %mul3A_439 = arith.muli %add3A_437, %mul3A_438 : i32
      %dma_start3A_440 = tpu.memref_slice %arg4[%add3A_434, %mul3A_439] : memref<32768x2048xf32, #tpu.memory_space<hbm>> -> memref<64x128xf32, #tpu.memory_space<hbm>>
      %dma_start3A_441 = tpu.memref_slice %arg4[%add3A_434, %mul3A_439] : memref<32768x2048xf32, #tpu.memory_space<hbm>> -> memref<64x128xf32, #tpu.memory_space<hbm>>
      tpu.enqueue_dma source(%arg10 : memref<64x128xf32, #tpu.memory_space<vmem>>) target(%dma_start3A_441 : memref<64x128xf32, #tpu.memory_space<hbm>>) target_semaphore(%arg18 : memref<!tpu.dma_semaphore, #tpu.memory_space<semaphore_mem>>)
      %dma_wait3A_442 = arith.constant 0 : i32
      %dma_wait3A_443 = arith.constant 0 : i32
      %dma_wait3A_444 = tpu.memref_slice %arg4[%dma_wait3A_442, %dma_wait3A_443] : memref<32768x2048xf32, #tpu.memory_space<hbm>> -> memref<64x128xf32, #tpu.memory_space<hbm>>
      %dma_wait3A_445 = arith.constant 0 : i32
      %dma_wait3A_446 = arith.constant 0 : i32
      %dma_wait3A_447 = tpu.memref_slice %arg4[%dma_wait3A_445, %dma_wait3A_446] : memref<32768x2048xf32, #tpu.memory_space<hbm>> -> memref<64x128xf32, #tpu.memory_space<hbm>>
      tpu.wait_dma2 semaphore(%arg18 : memref<!tpu.dma_semaphore, #tpu.memory_space<semaphore_mem>>) src(%arg10 : memref<64x128xf32, #tpu.memory_space<vmem>>) dst(%dma_wait3A_447 : memref<64x128xf32, #tpu.memory_space<hbm>>)
      %dma_start3A_448 = arith.constant 896 : i32
      %dma_start3A_449 = tpu.memref_slice %arg5[%dma_start3A_448] : memref<2048xi32, #tpu.memory_space<vmem>> -> memref<64xi32, #tpu.memory_space<vmem>>
      %dma_start3A_450 = arith.constant 0 : i32
      %dma_start3A_451 = arith.constant 0 : i32
      %dma_start3A_452 = tpu.memref_slice %arg6[%dma_start3A_450, %dma_start3A_451] : memref<8192x128xf32, #tpu.memory_space<vmem_shared>> -> memref<8192x128xf32, #tpu.memory_space<vmem_shared>>
      tpu.enqueue_indirect_dma source(%dma_start3A_452 : memref<8192x128xf32, #tpu.memory_space<vmem_shared>>) target(%arg10 : memref<64x128xf32, #tpu.memory_space<vmem>>) offsets(%dma_start3A_449 : memref<64xi32, #tpu.memory_space<vmem>>) semaphore(%arg15 : memref<!tpu.dma_semaphore, #tpu.memory_space<semaphore_mem>>)
      %dma_wait3A_453 = arith.constant 0 : i32
      %dma_wait3A_454 = tpu.memref_slice %arg5[%dma_wait3A_453] : memref<2048xi32, #tpu.memory_space<vmem>> -> memref<64xi32, #tpu.memory_space<vmem>>
      %dma_wait3A_455 = arith.constant 0 : i32
      %dma_wait3A_456 = arith.constant 0 : i32
      %dma_wait3A_457 = tpu.memref_slice %arg6[%dma_wait3A_455, %dma_wait3A_456] : memref<8192x128xf32, #tpu.memory_space<vmem_shared>> -> memref<8192x128xf32, #tpu.memory_space<vmem_shared>>
      tpu.wait_indirect_dma semaphore(%arg13 : memref<!tpu.dma_semaphore, #tpu.memory_space<semaphore_mem>>) src(%dma_wait3A_457 : memref<8192x128xf32, #tpu.memory_space<vmem_shared>>) dst(%arg8 : memref<64x128xf32, #tpu.memory_space<vmem>>)
      %add3A_458 = arith.constant 768 : i32
      %add3A_459 = arith.addi %mul3A_0, %add3A_458 : i32
      %mul3A_460 = arith.constant 8 : i32
      %mul3A_461 = arith.muli %arg0, %mul3A_460 : i32
      %add3A_462 = arith.addi %mul3A_461, %scan3A_129 : i32
      %mul3A_463 = arith.constant 128 : i32
      %mul3A_464 = arith.muli %add3A_462, %mul3A_463 : i32
      %dma_start3A_465 = tpu.memref_slice %arg4[%add3A_459, %mul3A_464] : memref<32768x2048xf32, #tpu.memory_space<hbm>> -> memref<64x128xf32, #tpu.memory_space<hbm>>
      %dma_start3A_466 = tpu.memref_slice %arg4[%add3A_459, %mul3A_464] : memref<32768x2048xf32, #tpu.memory_space<hbm>> -> memref<64x128xf32, #tpu.memory_space<hbm>>
      tpu.enqueue_dma source(%arg8 : memref<64x128xf32, #tpu.memory_space<vmem>>) target(%dma_start3A_466 : memref<64x128xf32, #tpu.memory_space<hbm>>) target_semaphore(%arg16 : memref<!tpu.dma_semaphore, #tpu.memory_space<semaphore_mem>>)
      %dma_wait3A_467 = arith.constant 0 : i32
      %dma_wait3A_468 = arith.constant 0 : i32
      %dma_wait3A_469 = tpu.memref_slice %arg4[%dma_wait3A_467, %dma_wait3A_468] : memref<32768x2048xf32, #tpu.memory_space<hbm>> -> memref<64x128xf32, #tpu.memory_space<hbm>>
      %dma_wait3A_470 = arith.constant 0 : i32
      %dma_wait3A_471 = arith.constant 0 : i32
      %dma_wait3A_472 = tpu.memref_slice %arg4[%dma_wait3A_470, %dma_wait3A_471] : memref<32768x2048xf32, #tpu.memory_space<hbm>> -> memref<64x128xf32, #tpu.memory_space<hbm>>
      tpu.wait_dma2 semaphore(%arg16 : memref<!tpu.dma_semaphore, #tpu.memory_space<semaphore_mem>>) src(%arg8 : memref<64x128xf32, #tpu.memory_space<vmem>>) dst(%dma_wait3A_472 : memref<64x128xf32, #tpu.memory_space<hbm>>)
      %dma_start3A_473 = arith.constant 960 : i32
      %dma_start3A_474 = tpu.memref_slice %arg5[%dma_start3A_473] : memref<2048xi32, #tpu.memory_space<vmem>> -> memref<64xi32, #tpu.memory_space<vmem>>
      %dma_start3A_475 = arith.constant 0 : i32
      %dma_start3A_476 = arith.constant 0 : i32
      %dma_start3A_477 = tpu.memref_slice %arg6[%dma_start3A_475, %dma_start3A_476] : memref<8192x128xf32, #tpu.memory_space<vmem_shared>> -> memref<8192x128xf32, #tpu.memory_space<vmem_shared>>
      tpu.enqueue_indirect_dma source(%dma_start3A_477 : memref<8192x128xf32, #tpu.memory_space<vmem_shared>>) target(%arg8 : memref<64x128xf32, #tpu.memory_space<vmem>>) offsets(%dma_start3A_474 : memref<64xi32, #tpu.memory_space<vmem>>) semaphore(%arg13 : memref<!tpu.dma_semaphore, #tpu.memory_space<semaphore_mem>>)
      %dma_wait3A_478 = arith.constant 0 : i32
      %dma_wait3A_479 = tpu.memref_slice %arg5[%dma_wait3A_478] : memref<2048xi32, #tpu.memory_space<vmem>> -> memref<64xi32, #tpu.memory_space<vmem>>
      %dma_wait3A_480 = arith.constant 0 : i32
      %dma_wait3A_481 = arith.constant 0 : i32
      %dma_wait3A_482 = tpu.memref_slice %arg6[%dma_wait3A_480, %dma_wait3A_481] : memref<8192x128xf32, #tpu.memory_space<vmem_shared>> -> memref<8192x128xf32, #tpu.memory_space<vmem_shared>>
      tpu.wait_indirect_dma semaphore(%arg14 : memref<!tpu.dma_semaphore, #tpu.memory_space<semaphore_mem>>) src(%dma_wait3A_482 : memref<8192x128xf32, #tpu.memory_space<vmem_shared>>) dst(%arg9 : memref<64x128xf32, #tpu.memory_space<vmem>>)
      %add3A_483 = arith.constant 832 : i32
      %add3A_484 = arith.addi %mul3A_0, %add3A_483 : i32
      %mul3A_485 = arith.constant 8 : i32
      %mul3A_486 = arith.muli %arg0, %mul3A_485 : i32
      %add3A_487 = arith.addi %mul3A_486, %scan3A_129 : i32
      %mul3A_488 = arith.constant 128 : i32
      %mul3A_489 = arith.muli %add3A_487, %mul3A_488 : i32
      %dma_start3A_490 = tpu.memref_slice %arg4[%add3A_484, %mul3A_489] : memref<32768x2048xf32, #tpu.memory_space<hbm>> -> memref<64x128xf32, #tpu.memory_space<hbm>>
      %dma_start3A_491 = tpu.memref_slice %arg4[%add3A_484, %mul3A_489] : memref<32768x2048xf32, #tpu.memory_space<hbm>> -> memref<64x128xf32, #tpu.memory_space<hbm>>
      tpu.enqueue_dma source(%arg9 : memref<64x128xf32, #tpu.memory_space<vmem>>) target(%dma_start3A_491 : memref<64x128xf32, #tpu.memory_space<hbm>>) target_semaphore(%arg17 : memref<!tpu.dma_semaphore, #tpu.memory_space<semaphore_mem>>)
      %dma_wait3A_492 = arith.constant 0 : i32
      %dma_wait3A_493 = arith.constant 0 : i32
      %dma_wait3A_494 = tpu.memref_slice %arg4[%dma_wait3A_492, %dma_wait3A_493] : memref<32768x2048xf32, #tpu.memory_space<hbm>> -> memref<64x128xf32, #tpu.memory_space<hbm>>
      %dma_wait3A_495 = arith.constant 0 : i32
      %dma_wait3A_496 = arith.constant 0 : i32
      %dma_wait3A_497 = tpu.memref_slice %arg4[%dma_wait3A_495, %dma_wait3A_496] : memref<32768x2048xf32, #tpu.memory_space<hbm>> -> memref<64x128xf32, #tpu.memory_space<hbm>>
      tpu.wait_dma2 semaphore(%arg17 : memref<!tpu.dma_semaphore, #tpu.memory_space<semaphore_mem>>) src(%arg9 : memref<64x128xf32, #tpu.memory_space<vmem>>) dst(%dma_wait3A_497 : memref<64x128xf32, #tpu.memory_space<hbm>>)
      %dma_start3A_498 = arith.constant 1024 : i32
      %dma_start3A_499 = tpu.memref_slice %arg5[%dma_start3A_498] : memref<2048xi32, #tpu.memory_space<vmem>> -> memref<64xi32, #tpu.memory_space<vmem>>
      %dma_start3A_500 = arith.constant 0 : i32
      %dma_start3A_501 = arith.constant 0 : i32
      %dma_start3A_502 = tpu.memref_slice %arg6[%dma_start3A_500, %dma_start3A_501] : memref<8192x128xf32, #tpu.memory_space<vmem_shared>> -> memref<8192x128xf32, #tpu.memory_space<vmem_shared>>
      tpu.enqueue_indirect_dma source(%dma_start3A_502 : memref<8192x128xf32, #tpu.memory_space<vmem_shared>>) target(%arg9 : memref<64x128xf32, #tpu.memory_space<vmem>>) offsets(%dma_start3A_499 : memref<64xi32, #tpu.memory_space<vmem>>) semaphore(%arg14 : memref<!tpu.dma_semaphore, #tpu.memory_space<semaphore_mem>>)
      %dma_wait3A_503 = arith.constant 0 : i32
      %dma_wait3A_504 = tpu.memref_slice %arg5[%dma_wait3A_503] : memref<2048xi32, #tpu.memory_space<vmem>> -> memref<64xi32, #tpu.memory_space<vmem>>
      %dma_wait3A_505 = arith.constant 0 : i32
      %dma_wait3A_506 = arith.constant 0 : i32
      %dma_wait3A_507 = tpu.memref_slice %arg6[%dma_wait3A_505, %dma_wait3A_506] : memref<8192x128xf32, #tpu.memory_space<vmem_shared>> -> memref<8192x128xf32, #tpu.memory_space<vmem_shared>>
      tpu.wait_indirect_dma semaphore(%arg15 : memref<!tpu.dma_semaphore, #tpu.memory_space<semaphore_mem>>) src(%dma_wait3A_507 : memref<8192x128xf32, #tpu.memory_space<vmem_shared>>) dst(%arg10 : memref<64x128xf32, #tpu.memory_space<vmem>>)
      %add3A_508 = arith.constant 896 : i32
      %add3A_509 = arith.addi %mul3A_0, %add3A_508 : i32
      %mul3A_510 = arith.constant 8 : i32
      %mul3A_511 = arith.muli %arg0, %mul3A_510 : i32
      %add3A_512 = arith.addi %mul3A_511, %scan3A_129 : i32
      %mul3A_513 = arith.constant 128 : i32
      %mul3A_514 = arith.muli %add3A_512, %mul3A_513 : i32
      %dma_start3A_515 = tpu.memref_slice %arg4[%add3A_509, %mul3A_514] : memref<32768x2048xf32, #tpu.memory_space<hbm>> -> memref<64x128xf32, #tpu.memory_space<hbm>>
      %dma_start3A_516 = tpu.memref_slice %arg4[%add3A_509, %mul3A_514] : memref<32768x2048xf32, #tpu.memory_space<hbm>> -> memref<64x128xf32, #tpu.memory_space<hbm>>
      tpu.enqueue_dma source(%arg10 : memref<64x128xf32, #tpu.memory_space<vmem>>) target(%dma_start3A_516 : memref<64x128xf32, #tpu.memory_space<hbm>>) target_semaphore(%arg18 : memref<!tpu.dma_semaphore, #tpu.memory_space<semaphore_mem>>)
      %dma_wait3A_517 = arith.constant 0 : i32
      %dma_wait3A_518 = arith.constant 0 : i32
      %dma_wait3A_519 = tpu.memref_slice %arg4[%dma_wait3A_517, %dma_wait3A_518] : memref<32768x2048xf32, #tpu.memory_space<hbm>> -> memref<64x128xf32, #tpu.memory_space<hbm>>
      %dma_wait3A_520 = arith.constant 0 : i32
      %dma_wait3A_521 = arith.constant 0 : i32
      %dma_wait3A_522 = tpu.memref_slice %arg4[%dma_wait3A_520, %dma_wait3A_521] : memref<32768x2048xf32, #tpu.memory_space<hbm>> -> memref<64x128xf32, #tpu.memory_space<hbm>>
      tpu.wait_dma2 semaphore(%arg18 : memref<!tpu.dma_semaphore, #tpu.memory_space<semaphore_mem>>) src(%arg10 : memref<64x128xf32, #tpu.memory_space<vmem>>) dst(%dma_wait3A_522 : memref<64x128xf32, #tpu.memory_space<hbm>>)
      %dma_start3A_523 = arith.constant 1088 : i32
      %dma_start3A_524 = tpu.memref_slice %arg5[%dma_start3A_523] : memref<2048xi32, #tpu.memory_space<vmem>> -> memref<64xi32, #tpu.memory_space<vmem>>
      %dma_start3A_525 = arith.constant 0 : i32
      %dma_start3A_526 = arith.constant 0 : i32
      %dma_start3A_527 = tpu.memref_slice %arg6[%dma_start3A_525, %dma_start3A_526] : memref<8192x128xf32, #tpu.memory_space<vmem_shared>> -> memref<8192x128xf32, #tpu.memory_space<vmem_shared>>
      tpu.enqueue_indirect_dma source(%dma_start3A_527 : memref<8192x128xf32, #tpu.memory_space<vmem_shared>>) target(%arg10 : memref<64x128xf32, #tpu.memory_space<vmem>>) offsets(%dma_start3A_524 : memref<64xi32, #tpu.memory_space<vmem>>) semaphore(%arg15 : memref<!tpu.dma_semaphore, #tpu.memory_space<semaphore_mem>>)
      %dma_wait3A_528 = arith.constant 0 : i32
      %dma_wait3A_529 = tpu.memref_slice %arg5[%dma_wait3A_528] : memref<2048xi32, #tpu.memory_space<vmem>> -> memref<64xi32, #tpu.memory_space<vmem>>
      %dma_wait3A_530 = arith.constant 0 : i32
      %dma_wait3A_531 = arith.constant 0 : i32
      %dma_wait3A_532 = tpu.memref_slice %arg6[%dma_wait3A_530, %dma_wait3A_531] : memref<8192x128xf32, #tpu.memory_space<vmem_shared>> -> memref<8192x128xf32, #tpu.memory_space<vmem_shared>>
      tpu.wait_indirect_dma semaphore(%arg13 : memref<!tpu.dma_semaphore, #tpu.memory_space<semaphore_mem>>) src(%dma_wait3A_532 : memref<8192x128xf32, #tpu.memory_space<vmem_shared>>) dst(%arg8 : memref<64x128xf32, #tpu.memory_space<vmem>>)
      %add3A_533 = arith.constant 960 : i32
      %add3A_534 = arith.addi %mul3A_0, %add3A_533 : i32
      %mul3A_535 = arith.constant 8 : i32
      %mul3A_536 = arith.muli %arg0, %mul3A_535 : i32
      %add3A_537 = arith.addi %mul3A_536, %scan3A_129 : i32
      %mul3A_538 = arith.constant 128 : i32
      %mul3A_539 = arith.muli %add3A_537, %mul3A_538 : i32
      %dma_start3A_540 = tpu.memref_slice %arg4[%add3A_534, %mul3A_539] : memref<32768x2048xf32, #tpu.memory_space<hbm>> -> memref<64x128xf32, #tpu.memory_space<hbm>>
      %dma_start3A_541 = tpu.memref_slice %arg4[%add3A_534, %mul3A_539] : memref<32768x2048xf32, #tpu.memory_space<hbm>> -> memref<64x128xf32, #tpu.memory_space<hbm>>
      tpu.enqueue_dma source(%arg8 : memref<64x128xf32, #tpu.memory_space<vmem>>) target(%dma_start3A_541 : memref<64x128xf32, #tpu.memory_space<hbm>>) target_semaphore(%arg16 : memref<!tpu.dma_semaphore, #tpu.memory_space<semaphore_mem>>)
      %dma_wait3A_542 = arith.constant 0 : i32
      %dma_wait3A_543 = arith.constant 0 : i32
      %dma_wait3A_544 = tpu.memref_slice %arg4[%dma_wait3A_542, %dma_wait3A_543] : memref<32768x2048xf32, #tpu.memory_space<hbm>> -> memref<64x128xf32, #tpu.memory_space<hbm>>
      %dma_wait3A_545 = arith.constant 0 : i32
      %dma_wait3A_546 = arith.constant 0 : i32
      %dma_wait3A_547 = tpu.memref_slice %arg4[%dma_wait3A_545, %dma_wait3A_546] : memref<32768x2048xf32, #tpu.memory_space<hbm>> -> memref<64x128xf32, #tpu.memory_space<hbm>>
      tpu.wait_dma2 semaphore(%arg16 : memref<!tpu.dma_semaphore, #tpu.memory_space<semaphore_mem>>) src(%arg8 : memref<64x128xf32, #tpu.memory_space<vmem>>) dst(%dma_wait3A_547 : memref<64x128xf32, #tpu.memory_space<hbm>>)
      %dma_start3A_548 = arith.constant 1152 : i32
      %dma_start3A_549 = tpu.memref_slice %arg5[%dma_start3A_548] : memref<2048xi32, #tpu.memory_space<vmem>> -> memref<64xi32, #tpu.memory_space<vmem>>
      %dma_start3A_550 = arith.constant 0 : i32
      %dma_start3A_551 = arith.constant 0 : i32
      %dma_start3A_552 = tpu.memref_slice %arg6[%dma_start3A_550, %dma_start3A_551] : memref<8192x128xf32, #tpu.memory_space<vmem_shared>> -> memref<8192x128xf32, #tpu.memory_space<vmem_shared>>
      tpu.enqueue_indirect_dma source(%dma_start3A_552 : memref<8192x128xf32, #tpu.memory_space<vmem_shared>>) target(%arg8 : memref<64x128xf32, #tpu.memory_space<vmem>>) offsets(%dma_start3A_549 : memref<64xi32, #tpu.memory_space<vmem>>) semaphore(%arg13 : memref<!tpu.dma_semaphore, #tpu.memory_space<semaphore_mem>>)
      %dma_wait3A_553 = arith.constant 0 : i32
      %dma_wait3A_554 = tpu.memref_slice %arg5[%dma_wait3A_553] : memref<2048xi32, #tpu.memory_space<vmem>> -> memref<64xi32, #tpu.memory_space<vmem>>
      %dma_wait3A_555 = arith.constant 0 : i32
      %dma_wait3A_556 = arith.constant 0 : i32
      %dma_wait3A_557 = tpu.memref_slice %arg6[%dma_wait3A_555, %dma_wait3A_556] : memref<8192x128xf32, #tpu.memory_space<vmem_shared>> -> memref<8192x128xf32, #tpu.memory_space<vmem_shared>>
      tpu.wait_indirect_dma semaphore(%arg14 : memref<!tpu.dma_semaphore, #tpu.memory_space<semaphore_mem>>) src(%dma_wait3A_557 : memref<8192x128xf32, #tpu.memory_space<vmem_shared>>) dst(%arg9 : memref<64x128xf32, #tpu.memory_space<vmem>>)
      %add3A_558 = arith.constant 1024 : i32
      %add3A_559 = arith.addi %mul3A_0, %add3A_558 : i32
      %mul3A_560 = arith.constant 8 : i32
      %mul3A_561 = arith.muli %arg0, %mul3A_560 : i32
      %add3A_562 = arith.addi %mul3A_561, %scan3A_129 : i32
      %mul3A_563 = arith.constant 128 : i32
      %mul3A_564 = arith.muli %add3A_562, %mul3A_563 : i32
      %dma_start3A_565 = tpu.memref_slice %arg4[%add3A_559, %mul3A_564] : memref<32768x2048xf32, #tpu.memory_space<hbm>> -> memref<64x128xf32, #tpu.memory_space<hbm>>
      %dma_start3A_566 = tpu.memref_slice %arg4[%add3A_559, %mul3A_564] : memref<32768x2048xf32, #tpu.memory_space<hbm>> -> memref<64x128xf32, #tpu.memory_space<hbm>>
      tpu.enqueue_dma source(%arg9 : memref<64x128xf32, #tpu.memory_space<vmem>>) target(%dma_start3A_566 : memref<64x128xf32, #tpu.memory_space<hbm>>) target_semaphore(%arg17 : memref<!tpu.dma_semaphore, #tpu.memory_space<semaphore_mem>>)
      %dma_wait3A_567 = arith.constant 0 : i32
      %dma_wait3A_568 = arith.constant 0 : i32
      %dma_wait3A_569 = tpu.memref_slice %arg4[%dma_wait3A_567, %dma_wait3A_568] : memref<32768x2048xf32, #tpu.memory_space<hbm>> -> memref<64x128xf32, #tpu.memory_space<hbm>>
      %dma_wait3A_570 = arith.constant 0 : i32
      %dma_wait3A_571 = arith.constant 0 : i32
      %dma_wait3A_572 = tpu.memref_slice %arg4[%dma_wait3A_570, %dma_wait3A_571] : memref<32768x2048xf32, #tpu.memory_space<hbm>> -> memref<64x128xf32, #tpu.memory_space<hbm>>
      tpu.wait_dma2 semaphore(%arg17 : memref<!tpu.dma_semaphore, #tpu.memory_space<semaphore_mem>>) src(%arg9 : memref<64x128xf32, #tpu.memory_space<vmem>>) dst(%dma_wait3A_572 : memref<64x128xf32, #tpu.memory_space<hbm>>)
      %dma_start3A_573 = arith.constant 1216 : i32
      %dma_start3A_574 = tpu.memref_slice %arg5[%dma_start3A_573] : memref<2048xi32, #tpu.memory_space<vmem>> -> memref<64xi32, #tpu.memory_space<vmem>>
      %dma_start3A_575 = arith.constant 0 : i32
      %dma_start3A_576 = arith.constant 0 : i32
      %dma_start3A_577 = tpu.memref_slice %arg6[%dma_start3A_575, %dma_start3A_576] : memref<8192x128xf32, #tpu.memory_space<vmem_shared>> -> memref<8192x128xf32, #tpu.memory_space<vmem_shared>>
      tpu.enqueue_indirect_dma source(%dma_start3A_577 : memref<8192x128xf32, #tpu.memory_space<vmem_shared>>) target(%arg9 : memref<64x128xf32, #tpu.memory_space<vmem>>) offsets(%dma_start3A_574 : memref<64xi32, #tpu.memory_space<vmem>>) semaphore(%arg14 : memref<!tpu.dma_semaphore, #tpu.memory_space<semaphore_mem>>)
      %dma_wait3A_578 = arith.constant 0 : i32
      %dma_wait3A_579 = tpu.memref_slice %arg5[%dma_wait3A_578] : memref<2048xi32, #tpu.memory_space<vmem>> -> memref<64xi32, #tpu.memory_space<vmem>>
      %dma_wait3A_580 = arith.constant 0 : i32
      %dma_wait3A_581 = arith.constant 0 : i32
      %dma_wait3A_582 = tpu.memref_slice %arg6[%dma_wait3A_580, %dma_wait3A_581] : memref<8192x128xf32, #tpu.memory_space<vmem_shared>> -> memref<8192x128xf32, #tpu.memory_space<vmem_shared>>
      tpu.wait_indirect_dma semaphore(%arg15 : memref<!tpu.dma_semaphore, #tpu.memory_space<semaphore_mem>>) src(%dma_wait3A_582 : memref<8192x128xf32, #tpu.memory_space<vmem_shared>>) dst(%arg10 : memref<64x128xf32, #tpu.memory_space<vmem>>)
      %add3A_583 = arith.constant 1088 : i32
      %add3A_584 = arith.addi %mul3A_0, %add3A_583 : i32
      %mul3A_585 = arith.constant 8 : i32
      %mul3A_586 = arith.muli %arg0, %mul3A_585 : i32
      %add3A_587 = arith.addi %mul3A_586, %scan3A_129 : i32
      %mul3A_588 = arith.constant 128 : i32
      %mul3A_589 = arith.muli %add3A_587, %mul3A_588 : i32
      %dma_start3A_590 = tpu.memref_slice %arg4[%add3A_584, %mul3A_589] : memref<32768x2048xf32, #tpu.memory_space<hbm>> -> memref<64x128xf32, #tpu.memory_space<hbm>>
      %dma_start3A_591 = tpu.memref_slice %arg4[%add3A_584, %mul3A_589] : memref<32768x2048xf32, #tpu.memory_space<hbm>> -> memref<64x128xf32, #tpu.memory_space<hbm>>
      tpu.enqueue_dma source(%arg10 : memref<64x128xf32, #tpu.memory_space<vmem>>) target(%dma_start3A_591 : memref<64x128xf32, #tpu.memory_space<hbm>>) target_semaphore(%arg18 : memref<!tpu.dma_semaphore, #tpu.memory_space<semaphore_mem>>)
      %dma_wait3A_592 = arith.constant 0 : i32
      %dma_wait3A_593 = arith.constant 0 : i32
      %dma_wait3A_594 = tpu.memref_slice %arg4[%dma_wait3A_592, %dma_wait3A_593] : memref<32768x2048xf32, #tpu.memory_space<hbm>> -> memref<64x128xf32, #tpu.memory_space<hbm>>
      %dma_wait3A_595 = arith.constant 0 : i32
      %dma_wait3A_596 = arith.constant 0 : i32
      %dma_wait3A_597 = tpu.memref_slice %arg4[%dma_wait3A_595, %dma_wait3A_596] : memref<32768x2048xf32, #tpu.memory_space<hbm>> -> memref<64x128xf32, #tpu.memory_space<hbm>>
      tpu.wait_dma2 semaphore(%arg18 : memref<!tpu.dma_semaphore, #tpu.memory_space<semaphore_mem>>) src(%arg10 : memref<64x128xf32, #tpu.memory_space<vmem>>) dst(%dma_wait3A_597 : memref<64x128xf32, #tpu.memory_space<hbm>>)
      %dma_start3A_598 = arith.constant 1280 : i32
      %dma_start3A_599 = tpu.memref_slice %arg5[%dma_start3A_598] : memref<2048xi32, #tpu.memory_space<vmem>> -> memref<64xi32, #tpu.memory_space<vmem>>
      %dma_start3A_600 = arith.constant 0 : i32
      %dma_start3A_601 = arith.constant 0 : i32
      %dma_start3A_602 = tpu.memref_slice %arg6[%dma_start3A_600, %dma_start3A_601] : memref<8192x128xf32, #tpu.memory_space<vmem_shared>> -> memref<8192x128xf32, #tpu.memory_space<vmem_shared>>
      tpu.enqueue_indirect_dma source(%dma_start3A_602 : memref<8192x128xf32, #tpu.memory_space<vmem_shared>>) target(%arg10 : memref<64x128xf32, #tpu.memory_space<vmem>>) offsets(%dma_start3A_599 : memref<64xi32, #tpu.memory_space<vmem>>) semaphore(%arg15 : memref<!tpu.dma_semaphore, #tpu.memory_space<semaphore_mem>>)
      %dma_wait3A_603 = arith.constant 0 : i32
      %dma_wait3A_604 = tpu.memref_slice %arg5[%dma_wait3A_603] : memref<2048xi32, #tpu.memory_space<vmem>> -> memref<64xi32, #tpu.memory_space<vmem>>
      %dma_wait3A_605 = arith.constant 0 : i32
      %dma_wait3A_606 = arith.constant 0 : i32
      %dma_wait3A_607 = tpu.memref_slice %arg6[%dma_wait3A_605, %dma_wait3A_606] : memref<8192x128xf32, #tpu.memory_space<vmem_shared>> -> memref<8192x128xf32, #tpu.memory_space<vmem_shared>>
      tpu.wait_indirect_dma semaphore(%arg13 : memref<!tpu.dma_semaphore, #tpu.memory_space<semaphore_mem>>) src(%dma_wait3A_607 : memref<8192x128xf32, #tpu.memory_space<vmem_shared>>) dst(%arg8 : memref<64x128xf32, #tpu.memory_space<vmem>>)
      %add3A_608 = arith.constant 1152 : i32
      %add3A_609 = arith.addi %mul3A_0, %add3A_608 : i32
      %mul3A_610 = arith.constant 8 : i32
      %mul3A_611 = arith.muli %arg0, %mul3A_610 : i32
      %add3A_612 = arith.addi %mul3A_611, %scan3A_129 : i32
      %mul3A_613 = arith.constant 128 : i32
      %mul3A_614 = arith.muli %add3A_612, %mul3A_613 : i32
      %dma_start3A_615 = tpu.memref_slice %arg4[%add3A_609, %mul3A_614] : memref<32768x2048xf32, #tpu.memory_space<hbm>> -> memref<64x128xf32, #tpu.memory_space<hbm>>
      %dma_start3A_616 = tpu.memref_slice %arg4[%add3A_609, %mul3A_614] : memref<32768x2048xf32, #tpu.memory_space<hbm>> -> memref<64x128xf32, #tpu.memory_space<hbm>>
      tpu.enqueue_dma source(%arg8 : memref<64x128xf32, #tpu.memory_space<vmem>>) target(%dma_start3A_616 : memref<64x128xf32, #tpu.memory_space<hbm>>) target_semaphore(%arg16 : memref<!tpu.dma_semaphore, #tpu.memory_space<semaphore_mem>>)
      %dma_wait3A_617 = arith.constant 0 : i32
      %dma_wait3A_618 = arith.constant 0 : i32
      %dma_wait3A_619 = tpu.memref_slice %arg4[%dma_wait3A_617, %dma_wait3A_618] : memref<32768x2048xf32, #tpu.memory_space<hbm>> -> memref<64x128xf32, #tpu.memory_space<hbm>>
      %dma_wait3A_620 = arith.constant 0 : i32
      %dma_wait3A_621 = arith.constant 0 : i32
      %dma_wait3A_622 = tpu.memref_slice %arg4[%dma_wait3A_620, %dma_wait3A_621] : memref<32768x2048xf32, #tpu.memory_space<hbm>> -> memref<64x128xf32, #tpu.memory_space<hbm>>
      tpu.wait_dma2 semaphore(%arg16 : memref<!tpu.dma_semaphore, #tpu.memory_space<semaphore_mem>>) src(%arg8 : memref<64x128xf32, #tpu.memory_space<vmem>>) dst(%dma_wait3A_622 : memref<64x128xf32, #tpu.memory_space<hbm>>)
      %dma_start3A_623 = arith.constant 1344 : i32
      %dma_start3A_624 = tpu.memref_slice %arg5[%dma_start3A_623] : memref<2048xi32, #tpu.memory_space<vmem>> -> memref<64xi32, #tpu.memory_space<vmem>>
      %dma_start3A_625 = arith.constant 0 : i32
      %dma_start3A_626 = arith.constant 0 : i32
      %dma_start3A_627 = tpu.memref_slice %arg6[%dma_start3A_625, %dma_start3A_626] : memref<8192x128xf32, #tpu.memory_space<vmem_shared>> -> memref<8192x128xf32, #tpu.memory_space<vmem_shared>>
      tpu.enqueue_indirect_dma source(%dma_start3A_627 : memref<8192x128xf32, #tpu.memory_space<vmem_shared>>) target(%arg8 : memref<64x128xf32, #tpu.memory_space<vmem>>) offsets(%dma_start3A_624 : memref<64xi32, #tpu.memory_space<vmem>>) semaphore(%arg13 : memref<!tpu.dma_semaphore, #tpu.memory_space<semaphore_mem>>)
      %dma_wait3A_628 = arith.constant 0 : i32
      %dma_wait3A_629 = tpu.memref_slice %arg5[%dma_wait3A_628] : memref<2048xi32, #tpu.memory_space<vmem>> -> memref<64xi32, #tpu.memory_space<vmem>>
      %dma_wait3A_630 = arith.constant 0 : i32
      %dma_wait3A_631 = arith.constant 0 : i32
      %dma_wait3A_632 = tpu.memref_slice %arg6[%dma_wait3A_630, %dma_wait3A_631] : memref<8192x128xf32, #tpu.memory_space<vmem_shared>> -> memref<8192x128xf32, #tpu.memory_space<vmem_shared>>
      tpu.wait_indirect_dma semaphore(%arg14 : memref<!tpu.dma_semaphore, #tpu.memory_space<semaphore_mem>>) src(%dma_wait3A_632 : memref<8192x128xf32, #tpu.memory_space<vmem_shared>>) dst(%arg9 : memref<64x128xf32, #tpu.memory_space<vmem>>)
      %add3A_633 = arith.constant 1216 : i32
      %add3A_634 = arith.addi %mul3A_0, %add3A_633 : i32
      %mul3A_635 = arith.constant 8 : i32
      %mul3A_636 = arith.muli %arg0, %mul3A_635 : i32
      %add3A_637 = arith.addi %mul3A_636, %scan3A_129 : i32
      %mul3A_638 = arith.constant 128 : i32
      %mul3A_639 = arith.muli %add3A_637, %mul3A_638 : i32
      %dma_start3A_640 = tpu.memref_slice %arg4[%add3A_634, %mul3A_639] : memref<32768x2048xf32, #tpu.memory_space<hbm>> -> memref<64x128xf32, #tpu.memory_space<hbm>>
      %dma_start3A_641 = tpu.memref_slice %arg4[%add3A_634, %mul3A_639] : memref<32768x2048xf32, #tpu.memory_space<hbm>> -> memref<64x128xf32, #tpu.memory_space<hbm>>
      tpu.enqueue_dma source(%arg9 : memref<64x128xf32, #tpu.memory_space<vmem>>) target(%dma_start3A_641 : memref<64x128xf32, #tpu.memory_space<hbm>>) target_semaphore(%arg17 : memref<!tpu.dma_semaphore, #tpu.memory_space<semaphore_mem>>)
      %dma_wait3A_642 = arith.constant 0 : i32
      %dma_wait3A_643 = arith.constant 0 : i32
      %dma_wait3A_644 = tpu.memref_slice %arg4[%dma_wait3A_642, %dma_wait3A_643] : memref<32768x2048xf32, #tpu.memory_space<hbm>> -> memref<64x128xf32, #tpu.memory_space<hbm>>
      %dma_wait3A_645 = arith.constant 0 : i32
      %dma_wait3A_646 = arith.constant 0 : i32
      %dma_wait3A_647 = tpu.memref_slice %arg4[%dma_wait3A_645, %dma_wait3A_646] : memref<32768x2048xf32, #tpu.memory_space<hbm>> -> memref<64x128xf32, #tpu.memory_space<hbm>>
      tpu.wait_dma2 semaphore(%arg17 : memref<!tpu.dma_semaphore, #tpu.memory_space<semaphore_mem>>) src(%arg9 : memref<64x128xf32, #tpu.memory_space<vmem>>) dst(%dma_wait3A_647 : memref<64x128xf32, #tpu.memory_space<hbm>>)
      %dma_start3A_648 = arith.constant 1408 : i32
      %dma_start3A_649 = tpu.memref_slice %arg5[%dma_start3A_648] : memref<2048xi32, #tpu.memory_space<vmem>> -> memref<64xi32, #tpu.memory_space<vmem>>
      %dma_start3A_650 = arith.constant 0 : i32
      %dma_start3A_651 = arith.constant 0 : i32
      %dma_start3A_652 = tpu.memref_slice %arg6[%dma_start3A_650, %dma_start3A_651] : memref<8192x128xf32, #tpu.memory_space<vmem_shared>> -> memref<8192x128xf32, #tpu.memory_space<vmem_shared>>
      tpu.enqueue_indirect_dma source(%dma_start3A_652 : memref<8192x128xf32, #tpu.memory_space<vmem_shared>>) target(%arg9 : memref<64x128xf32, #tpu.memory_space<vmem>>) offsets(%dma_start3A_649 : memref<64xi32, #tpu.memory_space<vmem>>) semaphore(%arg14 : memref<!tpu.dma_semaphore, #tpu.memory_space<semaphore_mem>>)
      %dma_wait3A_653 = arith.constant 0 : i32
      %dma_wait3A_654 = tpu.memref_slice %arg5[%dma_wait3A_653] : memref<2048xi32, #tpu.memory_space<vmem>> -> memref<64xi32, #tpu.memory_space<vmem>>
      %dma_wait3A_655 = arith.constant 0 : i32
      %dma_wait3A_656 = arith.constant 0 : i32
      %dma_wait3A_657 = tpu.memref_slice %arg6[%dma_wait3A_655, %dma_wait3A_656] : memref<8192x128xf32, #tpu.memory_space<vmem_shared>> -> memref<8192x128xf32, #tpu.memory_space<vmem_shared>>
      tpu.wait_indirect_dma semaphore(%arg15 : memref<!tpu.dma_semaphore, #tpu.memory_space<semaphore_mem>>) src(%dma_wait3A_657 : memref<8192x128xf32, #tpu.memory_space<vmem_shared>>) dst(%arg10 : memref<64x128xf32, #tpu.memory_space<vmem>>)
      %add3A_658 = arith.constant 1280 : i32
      %add3A_659 = arith.addi %mul3A_0, %add3A_658 : i32
      %mul3A_660 = arith.constant 8 : i32
      %mul3A_661 = arith.muli %arg0, %mul3A_660 : i32
      %add3A_662 = arith.addi %mul3A_661, %scan3A_129 : i32
      %mul3A_663 = arith.constant 128 : i32
      %mul3A_664 = arith.muli %add3A_662, %mul3A_663 : i32
      %dma_start3A_665 = tpu.memref_slice %arg4[%add3A_659, %mul3A_664] : memref<32768x2048xf32, #tpu.memory_space<hbm>> -> memref<64x128xf32, #tpu.memory_space<hbm>>
      %dma_start3A_666 = tpu.memref_slice %arg4[%add3A_659, %mul3A_664] : memref<32768x2048xf32, #tpu.memory_space<hbm>> -> memref<64x128xf32, #tpu.memory_space<hbm>>
      tpu.enqueue_dma source(%arg10 : memref<64x128xf32, #tpu.memory_space<vmem>>) target(%dma_start3A_666 : memref<64x128xf32, #tpu.memory_space<hbm>>) target_semaphore(%arg18 : memref<!tpu.dma_semaphore, #tpu.memory_space<semaphore_mem>>)
      %dma_wait3A_667 = arith.constant 0 : i32
      %dma_wait3A_668 = arith.constant 0 : i32
      %dma_wait3A_669 = tpu.memref_slice %arg4[%dma_wait3A_667, %dma_wait3A_668] : memref<32768x2048xf32, #tpu.memory_space<hbm>> -> memref<64x128xf32, #tpu.memory_space<hbm>>
      %dma_wait3A_670 = arith.constant 0 : i32
      %dma_wait3A_671 = arith.constant 0 : i32
      %dma_wait3A_672 = tpu.memref_slice %arg4[%dma_wait3A_670, %dma_wait3A_671] : memref<32768x2048xf32, #tpu.memory_space<hbm>> -> memref<64x128xf32, #tpu.memory_space<hbm>>
      tpu.wait_dma2 semaphore(%arg18 : memref<!tpu.dma_semaphore, #tpu.memory_space<semaphore_mem>>) src(%arg10 : memref<64x128xf32, #tpu.memory_space<vmem>>) dst(%dma_wait3A_672 : memref<64x128xf32, #tpu.memory_space<hbm>>)
      %dma_start3A_673 = arith.constant 1472 : i32
      %dma_start3A_674 = tpu.memref_slice %arg5[%dma_start3A_673] : memref<2048xi32, #tpu.memory_space<vmem>> -> memref<64xi32, #tpu.memory_space<vmem>>
      %dma_start3A_675 = arith.constant 0 : i32
      %dma_start3A_676 = arith.constant 0 : i32
      %dma_start3A_677 = tpu.memref_slice %arg6[%dma_start3A_675, %dma_start3A_676] : memref<8192x128xf32, #tpu.memory_space<vmem_shared>> -> memref<8192x128xf32, #tpu.memory_space<vmem_shared>>
      tpu.enqueue_indirect_dma source(%dma_start3A_677 : memref<8192x128xf32, #tpu.memory_space<vmem_shared>>) target(%arg10 : memref<64x128xf32, #tpu.memory_space<vmem>>) offsets(%dma_start3A_674 : memref<64xi32, #tpu.memory_space<vmem>>) semaphore(%arg15 : memref<!tpu.dma_semaphore, #tpu.memory_space<semaphore_mem>>)
      %dma_wait3A_678 = arith.constant 0 : i32
      %dma_wait3A_679 = tpu.memref_slice %arg5[%dma_wait3A_678] : memref<2048xi32, #tpu.memory_space<vmem>> -> memref<64xi32, #tpu.memory_space<vmem>>
      %dma_wait3A_680 = arith.constant 0 : i32
      %dma_wait3A_681 = arith.constant 0 : i32
      %dma_wait3A_682 = tpu.memref_slice %arg6[%dma_wait3A_680, %dma_wait3A_681] : memref<8192x128xf32, #tpu.memory_space<vmem_shared>> -> memref<8192x128xf32, #tpu.memory_space<vmem_shared>>
      tpu.wait_indirect_dma semaphore(%arg13 : memref<!tpu.dma_semaphore, #tpu.memory_space<semaphore_mem>>) src(%dma_wait3A_682 : memref<8192x128xf32, #tpu.memory_space<vmem_shared>>) dst(%arg8 : memref<64x128xf32, #tpu.memory_space<vmem>>)
      %add3A_683 = arith.constant 1344 : i32
      %add3A_684 = arith.addi %mul3A_0, %add3A_683 : i32
      %mul3A_685 = arith.constant 8 : i32
      %mul3A_686 = arith.muli %arg0, %mul3A_685 : i32
      %add3A_687 = arith.addi %mul3A_686, %scan3A_129 : i32
      %mul3A_688 = arith.constant 128 : i32
      %mul3A_689 = arith.muli %add3A_687, %mul3A_688 : i32
      %dma_start3A_690 = tpu.memref_slice %arg4[%add3A_684, %mul3A_689] : memref<32768x2048xf32, #tpu.memory_space<hbm>> -> memref<64x128xf32, #tpu.memory_space<hbm>>
      %dma_start3A_691 = tpu.memref_slice %arg4[%add3A_684, %mul3A_689] : memref<32768x2048xf32, #tpu.memory_space<hbm>> -> memref<64x128xf32, #tpu.memory_space<hbm>>
      tpu.enqueue_dma source(%arg8 : memref<64x128xf32, #tpu.memory_space<vmem>>) target(%dma_start3A_691 : memref<64x128xf32, #tpu.memory_space<hbm>>) target_semaphore(%arg16 : memref<!tpu.dma_semaphore, #tpu.memory_space<semaphore_mem>>)
      %dma_wait3A_692 = arith.constant 0 : i32
      %dma_wait3A_693 = arith.constant 0 : i32
      %dma_wait3A_694 = tpu.memref_slice %arg4[%dma_wait3A_692, %dma_wait3A_693] : memref<32768x2048xf32, #tpu.memory_space<hbm>> -> memref<64x128xf32, #tpu.memory_space<hbm>>
      %dma_wait3A_695 = arith.constant 0 : i32
      %dma_wait3A_696 = arith.constant 0 : i32
      %dma_wait3A_697 = tpu.memref_slice %arg4[%dma_wait3A_695, %dma_wait3A_696] : memref<32768x2048xf32, #tpu.memory_space<hbm>> -> memref<64x128xf32, #tpu.memory_space<hbm>>
      tpu.wait_dma2 semaphore(%arg16 : memref<!tpu.dma_semaphore, #tpu.memory_space<semaphore_mem>>) src(%arg8 : memref<64x128xf32, #tpu.memory_space<vmem>>) dst(%dma_wait3A_697 : memref<64x128xf32, #tpu.memory_space<hbm>>)
      %dma_start3A_698 = arith.constant 1536 : i32
      %dma_start3A_699 = tpu.memref_slice %arg5[%dma_start3A_698] : memref<2048xi32, #tpu.memory_space<vmem>> -> memref<64xi32, #tpu.memory_space<vmem>>
      %dma_start3A_700 = arith.constant 0 : i32
      %dma_start3A_701 = arith.constant 0 : i32
      %dma_start3A_702 = tpu.memref_slice %arg6[%dma_start3A_700, %dma_start3A_701] : memref<8192x128xf32, #tpu.memory_space<vmem_shared>> -> memref<8192x128xf32, #tpu.memory_space<vmem_shared>>
      tpu.enqueue_indirect_dma source(%dma_start3A_702 : memref<8192x128xf32, #tpu.memory_space<vmem_shared>>) target(%arg8 : memref<64x128xf32, #tpu.memory_space<vmem>>) offsets(%dma_start3A_699 : memref<64xi32, #tpu.memory_space<vmem>>) semaphore(%arg13 : memref<!tpu.dma_semaphore, #tpu.memory_space<semaphore_mem>>)
      %dma_wait3A_703 = arith.constant 0 : i32
      %dma_wait3A_704 = tpu.memref_slice %arg5[%dma_wait3A_703] : memref<2048xi32, #tpu.memory_space<vmem>> -> memref<64xi32, #tpu.memory_space<vmem>>
      %dma_wait3A_705 = arith.constant 0 : i32
      %dma_wait3A_706 = arith.constant 0 : i32
      %dma_wait3A_707 = tpu.memref_slice %arg6[%dma_wait3A_705, %dma_wait3A_706] : memref<8192x128xf32, #tpu.memory_space<vmem_shared>> -> memref<8192x128xf32, #tpu.memory_space<vmem_shared>>
      tpu.wait_indirect_dma semaphore(%arg14 : memref<!tpu.dma_semaphore, #tpu.memory_space<semaphore_mem>>) src(%dma_wait3A_707 : memref<8192x128xf32, #tpu.memory_space<vmem_shared>>) dst(%arg9 : memref<64x128xf32, #tpu.memory_space<vmem>>)
      %add3A_708 = arith.constant 1408 : i32
      %add3A_709 = arith.addi %mul3A_0, %add3A_708 : i32
      %mul3A_710 = arith.constant 8 : i32
      %mul3A_711 = arith.muli %arg0, %mul3A_710 : i32
      %add3A_712 = arith.addi %mul3A_711, %scan3A_129 : i32
      %mul3A_713 = arith.constant 128 : i32
      %mul3A_714 = arith.muli %add3A_712, %mul3A_713 : i32
      %dma_start3A_715 = tpu.memref_slice %arg4[%add3A_709, %mul3A_714] : memref<32768x2048xf32, #tpu.memory_space<hbm>> -> memref<64x128xf32, #tpu.memory_space<hbm>>
      %dma_start3A_716 = tpu.memref_slice %arg4[%add3A_709, %mul3A_714] : memref<32768x2048xf32, #tpu.memory_space<hbm>> -> memref<64x128xf32, #tpu.memory_space<hbm>>
      tpu.enqueue_dma source(%arg9 : memref<64x128xf32, #tpu.memory_space<vmem>>) target(%dma_start3A_716 : memref<64x128xf32, #tpu.memory_space<hbm>>) target_semaphore(%arg17 : memref<!tpu.dma_semaphore, #tpu.memory_space<semaphore_mem>>)
      %dma_wait3A_717 = arith.constant 0 : i32
      %dma_wait3A_718 = arith.constant 0 : i32
      %dma_wait3A_719 = tpu.memref_slice %arg4[%dma_wait3A_717, %dma_wait3A_718] : memref<32768x2048xf32, #tpu.memory_space<hbm>> -> memref<64x128xf32, #tpu.memory_space<hbm>>
      %dma_wait3A_720 = arith.constant 0 : i32
      %dma_wait3A_721 = arith.constant 0 : i32
      %dma_wait3A_722 = tpu.memref_slice %arg4[%dma_wait3A_720, %dma_wait3A_721] : memref<32768x2048xf32, #tpu.memory_space<hbm>> -> memref<64x128xf32, #tpu.memory_space<hbm>>
      tpu.wait_dma2 semaphore(%arg17 : memref<!tpu.dma_semaphore, #tpu.memory_space<semaphore_mem>>) src(%arg9 : memref<64x128xf32, #tpu.memory_space<vmem>>) dst(%dma_wait3A_722 : memref<64x128xf32, #tpu.memory_space<hbm>>)
      %dma_start3A_723 = arith.constant 1600 : i32
      %dma_start3A_724 = tpu.memref_slice %arg5[%dma_start3A_723] : memref<2048xi32, #tpu.memory_space<vmem>> -> memref<64xi32, #tpu.memory_space<vmem>>
      %dma_start3A_725 = arith.constant 0 : i32
      %dma_start3A_726 = arith.constant 0 : i32
      %dma_start3A_727 = tpu.memref_slice %arg6[%dma_start3A_725, %dma_start3A_726] : memref<8192x128xf32, #tpu.memory_space<vmem_shared>> -> memref<8192x128xf32, #tpu.memory_space<vmem_shared>>
      tpu.enqueue_indirect_dma source(%dma_start3A_727 : memref<8192x128xf32, #tpu.memory_space<vmem_shared>>) target(%arg9 : memref<64x128xf32, #tpu.memory_space<vmem>>) offsets(%dma_start3A_724 : memref<64xi32, #tpu.memory_space<vmem>>) semaphore(%arg14 : memref<!tpu.dma_semaphore, #tpu.memory_space<semaphore_mem>>)
      %dma_wait3A_728 = arith.constant 0 : i32
      %dma_wait3A_729 = tpu.memref_slice %arg5[%dma_wait3A_728] : memref<2048xi32, #tpu.memory_space<vmem>> -> memref<64xi32, #tpu.memory_space<vmem>>
      %dma_wait3A_730 = arith.constant 0 : i32
      %dma_wait3A_731 = arith.constant 0 : i32
      %dma_wait3A_732 = tpu.memref_slice %arg6[%dma_wait3A_730, %dma_wait3A_731] : memref<8192x128xf32, #tpu.memory_space<vmem_shared>> -> memref<8192x128xf32, #tpu.memory_space<vmem_shared>>
      tpu.wait_indirect_dma semaphore(%arg15 : memref<!tpu.dma_semaphore, #tpu.memory_space<semaphore_mem>>) src(%dma_wait3A_732 : memref<8192x128xf32, #tpu.memory_space<vmem_shared>>) dst(%arg10 : memref<64x128xf32, #tpu.memory_space<vmem>>)
      %add3A_733 = arith.constant 1472 : i32
      %add3A_734 = arith.addi %mul3A_0, %add3A_733 : i32
      %mul3A_735 = arith.constant 8 : i32
      %mul3A_736 = arith.muli %arg0, %mul3A_735 : i32
      %add3A_737 = arith.addi %mul3A_736, %scan3A_129 : i32
      %mul3A_738 = arith.constant 128 : i32
      %mul3A_739 = arith.muli %add3A_737, %mul3A_738 : i32
      %dma_start3A_740 = tpu.memref_slice %arg4[%add3A_734, %mul3A_739] : memref<32768x2048xf32, #tpu.memory_space<hbm>> -> memref<64x128xf32, #tpu.memory_space<hbm>>
      %dma_start3A_741 = tpu.memref_slice %arg4[%add3A_734, %mul3A_739] : memref<32768x2048xf32, #tpu.memory_space<hbm>> -> memref<64x128xf32, #tpu.memory_space<hbm>>
      tpu.enqueue_dma source(%arg10 : memref<64x128xf32, #tpu.memory_space<vmem>>) target(%dma_start3A_741 : memref<64x128xf32, #tpu.memory_space<hbm>>) target_semaphore(%arg18 : memref<!tpu.dma_semaphore, #tpu.memory_space<semaphore_mem>>)
      %dma_wait3A_742 = arith.constant 0 : i32
      %dma_wait3A_743 = arith.constant 0 : i32
      %dma_wait3A_744 = tpu.memref_slice %arg4[%dma_wait3A_742, %dma_wait3A_743] : memref<32768x2048xf32, #tpu.memory_space<hbm>> -> memref<64x128xf32, #tpu.memory_space<hbm>>
      %dma_wait3A_745 = arith.constant 0 : i32
      %dma_wait3A_746 = arith.constant 0 : i32
      %dma_wait3A_747 = tpu.memref_slice %arg4[%dma_wait3A_745, %dma_wait3A_746] : memref<32768x2048xf32, #tpu.memory_space<hbm>> -> memref<64x128xf32, #tpu.memory_space<hbm>>
      tpu.wait_dma2 semaphore(%arg18 : memref<!tpu.dma_semaphore, #tpu.memory_space<semaphore_mem>>) src(%arg10 : memref<64x128xf32, #tpu.memory_space<vmem>>) dst(%dma_wait3A_747 : memref<64x128xf32, #tpu.memory_space<hbm>>)
      %dma_start3A_748 = arith.constant 1664 : i32
      %dma_start3A_749 = tpu.memref_slice %arg5[%dma_start3A_748] : memref<2048xi32, #tpu.memory_space<vmem>> -> memref<64xi32, #tpu.memory_space<vmem>>
      %dma_start3A_750 = arith.constant 0 : i32
      %dma_start3A_751 = arith.constant 0 : i32
      %dma_start3A_752 = tpu.memref_slice %arg6[%dma_start3A_750, %dma_start3A_751] : memref<8192x128xf32, #tpu.memory_space<vmem_shared>> -> memref<8192x128xf32, #tpu.memory_space<vmem_shared>>
      tpu.enqueue_indirect_dma source(%dma_start3A_752 : memref<8192x128xf32, #tpu.memory_space<vmem_shared>>) target(%arg10 : memref<64x128xf32, #tpu.memory_space<vmem>>) offsets(%dma_start3A_749 : memref<64xi32, #tpu.memory_space<vmem>>) semaphore(%arg15 : memref<!tpu.dma_semaphore, #tpu.memory_space<semaphore_mem>>)
      %dma_wait3A_753 = arith.constant 0 : i32
      %dma_wait3A_754 = tpu.memref_slice %arg5[%dma_wait3A_753] : memref<2048xi32, #tpu.memory_space<vmem>> -> memref<64xi32, #tpu.memory_space<vmem>>
      %dma_wait3A_755 = arith.constant 0 : i32
      %dma_wait3A_756 = arith.constant 0 : i32
      %dma_wait3A_757 = tpu.memref_slice %arg6[%dma_wait3A_755, %dma_wait3A_756] : memref<8192x128xf32, #tpu.memory_space<vmem_shared>> -> memref<8192x128xf32, #tpu.memory_space<vmem_shared>>
      tpu.wait_indirect_dma semaphore(%arg13 : memref<!tpu.dma_semaphore, #tpu.memory_space<semaphore_mem>>) src(%dma_wait3A_757 : memref<8192x128xf32, #tpu.memory_space<vmem_shared>>) dst(%arg8 : memref<64x128xf32, #tpu.memory_space<vmem>>)
      %add3A_758 = arith.constant 1536 : i32
      %add3A_759 = arith.addi %mul3A_0, %add3A_758 : i32
      %mul3A_760 = arith.constant 8 : i32
      %mul3A_761 = arith.muli %arg0, %mul3A_760 : i32
      %add3A_762 = arith.addi %mul3A_761, %scan3A_129 : i32
      %mul3A_763 = arith.constant 128 : i32
      %mul3A_764 = arith.muli %add3A_762, %mul3A_763 : i32
      %dma_start3A_765 = tpu.memref_slice %arg4[%add3A_759, %mul3A_764] : memref<32768x2048xf32, #tpu.memory_space<hbm>> -> memref<64x128xf32, #tpu.memory_space<hbm>>
      %dma_start3A_766 = tpu.memref_slice %arg4[%add3A_759, %mul3A_764] : memref<32768x2048xf32, #tpu.memory_space<hbm>> -> memref<64x128xf32, #tpu.memory_space<hbm>>
      tpu.enqueue_dma source(%arg8 : memref<64x128xf32, #tpu.memory_space<vmem>>) target(%dma_start3A_766 : memref<64x128xf32, #tpu.memory_space<hbm>>) target_semaphore(%arg16 : memref<!tpu.dma_semaphore, #tpu.memory_space<semaphore_mem>>)
      %dma_wait3A_767 = arith.constant 0 : i32
      %dma_wait3A_768 = arith.constant 0 : i32
      %dma_wait3A_769 = tpu.memref_slice %arg4[%dma_wait3A_767, %dma_wait3A_768] : memref<32768x2048xf32, #tpu.memory_space<hbm>> -> memref<64x128xf32, #tpu.memory_space<hbm>>
      %dma_wait3A_770 = arith.constant 0 : i32
      %dma_wait3A_771 = arith.constant 0 : i32
      %dma_wait3A_772 = tpu.memref_slice %arg4[%dma_wait3A_770, %dma_wait3A_771] : memref<32768x2048xf32, #tpu.memory_space<hbm>> -> memref<64x128xf32, #tpu.memory_space<hbm>>
      tpu.wait_dma2 semaphore(%arg16 : memref<!tpu.dma_semaphore, #tpu.memory_space<semaphore_mem>>) src(%arg8 : memref<64x128xf32, #tpu.memory_space<vmem>>) dst(%dma_wait3A_772 : memref<64x128xf32, #tpu.memory_space<hbm>>)
      %dma_start3A_773 = arith.constant 1728 : i32
      %dma_start3A_774 = tpu.memref_slice %arg5[%dma_start3A_773] : memref<2048xi32, #tpu.memory_space<vmem>> -> memref<64xi32, #tpu.memory_space<vmem>>
      %dma_start3A_775 = arith.constant 0 : i32
      %dma_start3A_776 = arith.constant 0 : i32
      %dma_start3A_777 = tpu.memref_slice %arg6[%dma_start3A_775, %dma_start3A_776] : memref<8192x128xf32, #tpu.memory_space<vmem_shared>> -> memref<8192x128xf32, #tpu.memory_space<vmem_shared>>
      tpu.enqueue_indirect_dma source(%dma_start3A_777 : memref<8192x128xf32, #tpu.memory_space<vmem_shared>>) target(%arg8 : memref<64x128xf32, #tpu.memory_space<vmem>>) offsets(%dma_start3A_774 : memref<64xi32, #tpu.memory_space<vmem>>) semaphore(%arg13 : memref<!tpu.dma_semaphore, #tpu.memory_space<semaphore_mem>>)
      %dma_wait3A_778 = arith.constant 0 : i32
      %dma_wait3A_779 = tpu.memref_slice %arg5[%dma_wait3A_778] : memref<2048xi32, #tpu.memory_space<vmem>> -> memref<64xi32, #tpu.memory_space<vmem>>
      %dma_wait3A_780 = arith.constant 0 : i32
      %dma_wait3A_781 = arith.constant 0 : i32
      %dma_wait3A_782 = tpu.memref_slice %arg6[%dma_wait3A_780, %dma_wait3A_781] : memref<8192x128xf32, #tpu.memory_space<vmem_shared>> -> memref<8192x128xf32, #tpu.memory_space<vmem_shared>>
      tpu.wait_indirect_dma semaphore(%arg14 : memref<!tpu.dma_semaphore, #tpu.memory_space<semaphore_mem>>) src(%dma_wait3A_782 : memref<8192x128xf32, #tpu.memory_space<vmem_shared>>) dst(%arg9 : memref<64x128xf32, #tpu.memory_space<vmem>>)
      %add3A_783 = arith.constant 1600 : i32
      %add3A_784 = arith.addi %mul3A_0, %add3A_783 : i32
      %mul3A_785 = arith.constant 8 : i32
      %mul3A_786 = arith.muli %arg0, %mul3A_785 : i32
      %add3A_787 = arith.addi %mul3A_786, %scan3A_129 : i32
      %mul3A_788 = arith.constant 128 : i32
      %mul3A_789 = arith.muli %add3A_787, %mul3A_788 : i32
      %dma_start3A_790 = tpu.memref_slice %arg4[%add3A_784, %mul3A_789] : memref<32768x2048xf32, #tpu.memory_space<hbm>> -> memref<64x128xf32, #tpu.memory_space<hbm>>
      %dma_start3A_791 = tpu.memref_slice %arg4[%add3A_784, %mul3A_789] : memref<32768x2048xf32, #tpu.memory_space<hbm>> -> memref<64x128xf32, #tpu.memory_space<hbm>>
      tpu.enqueue_dma source(%arg9 : memref<64x128xf32, #tpu.memory_space<vmem>>) target(%dma_start3A_791 : memref<64x128xf32, #tpu.memory_space<hbm>>) target_semaphore(%arg17 : memref<!tpu.dma_semaphore, #tpu.memory_space<semaphore_mem>>)
      %dma_wait3A_792 = arith.constant 0 : i32
      %dma_wait3A_793 = arith.constant 0 : i32
      %dma_wait3A_794 = tpu.memref_slice %arg4[%dma_wait3A_792, %dma_wait3A_793] : memref<32768x2048xf32, #tpu.memory_space<hbm>> -> memref<64x128xf32, #tpu.memory_space<hbm>>
      %dma_wait3A_795 = arith.constant 0 : i32
      %dma_wait3A_796 = arith.constant 0 : i32
      %dma_wait3A_797 = tpu.memref_slice %arg4[%dma_wait3A_795, %dma_wait3A_796] : memref<32768x2048xf32, #tpu.memory_space<hbm>> -> memref<64x128xf32, #tpu.memory_space<hbm>>
      tpu.wait_dma2 semaphore(%arg17 : memref<!tpu.dma_semaphore, #tpu.memory_space<semaphore_mem>>) src(%arg9 : memref<64x128xf32, #tpu.memory_space<vmem>>) dst(%dma_wait3A_797 : memref<64x128xf32, #tpu.memory_space<hbm>>)
      %dma_start3A_798 = arith.constant 1792 : i32
      %dma_start3A_799 = tpu.memref_slice %arg5[%dma_start3A_798] : memref<2048xi32, #tpu.memory_space<vmem>> -> memref<64xi32, #tpu.memory_space<vmem>>
      %dma_start3A_800 = arith.constant 0 : i32
      %dma_start3A_801 = arith.constant 0 : i32
      %dma_start3A_802 = tpu.memref_slice %arg6[%dma_start3A_800, %dma_start3A_801] : memref<8192x128xf32, #tpu.memory_space<vmem_shared>> -> memref<8192x128xf32, #tpu.memory_space<vmem_shared>>
      tpu.enqueue_indirect_dma source(%dma_start3A_802 : memref<8192x128xf32, #tpu.memory_space<vmem_shared>>) target(%arg9 : memref<64x128xf32, #tpu.memory_space<vmem>>) offsets(%dma_start3A_799 : memref<64xi32, #tpu.memory_space<vmem>>) semaphore(%arg14 : memref<!tpu.dma_semaphore, #tpu.memory_space<semaphore_mem>>)
      %dma_wait3A_803 = arith.constant 0 : i32
      %dma_wait3A_804 = tpu.memref_slice %arg5[%dma_wait3A_803] : memref<2048xi32, #tpu.memory_space<vmem>> -> memref<64xi32, #tpu.memory_space<vmem>>
      %dma_wait3A_805 = arith.constant 0 : i32
      %dma_wait3A_806 = arith.constant 0 : i32
      %dma_wait3A_807 = tpu.memref_slice %arg6[%dma_wait3A_805, %dma_wait3A_806] : memref<8192x128xf32, #tpu.memory_space<vmem_shared>> -> memref<8192x128xf32, #tpu.memory_space<vmem_shared>>
      tpu.wait_indirect_dma semaphore(%arg15 : memref<!tpu.dma_semaphore, #tpu.memory_space<semaphore_mem>>) src(%dma_wait3A_807 : memref<8192x128xf32, #tpu.memory_space<vmem_shared>>) dst(%arg10 : memref<64x128xf32, #tpu.memory_space<vmem>>)
      %add3A_808 = arith.constant 1664 : i32
      %add3A_809 = arith.addi %mul3A_0, %add3A_808 : i32
      %mul3A_810 = arith.constant 8 : i32
      %mul3A_811 = arith.muli %arg0, %mul3A_810 : i32
      %add3A_812 = arith.addi %mul3A_811, %scan3A_129 : i32
      %mul3A_813 = arith.constant 128 : i32
      %mul3A_814 = arith.muli %add3A_812, %mul3A_813 : i32
      %dma_start3A_815 = tpu.memref_slice %arg4[%add3A_809, %mul3A_814] : memref<32768x2048xf32, #tpu.memory_space<hbm>> -> memref<64x128xf32, #tpu.memory_space<hbm>>
      %dma_start3A_816 = tpu.memref_slice %arg4[%add3A_809, %mul3A_814] : memref<32768x2048xf32, #tpu.memory_space<hbm>> -> memref<64x128xf32, #tpu.memory_space<hbm>>
      tpu.enqueue_dma source(%arg10 : memref<64x128xf32, #tpu.memory_space<vmem>>) target(%dma_start3A_816 : memref<64x128xf32, #tpu.memory_space<hbm>>) target_semaphore(%arg18 : memref<!tpu.dma_semaphore, #tpu.memory_space<semaphore_mem>>)
      %dma_wait3A_817 = arith.constant 0 : i32
      %dma_wait3A_818 = arith.constant 0 : i32
      %dma_wait3A_819 = tpu.memref_slice %arg4[%dma_wait3A_817, %dma_wait3A_818] : memref<32768x2048xf32, #tpu.memory_space<hbm>> -> memref<64x128xf32, #tpu.memory_space<hbm>>
      %dma_wait3A_820 = arith.constant 0 : i32
      %dma_wait3A_821 = arith.constant 0 : i32
      %dma_wait3A_822 = tpu.memref_slice %arg4[%dma_wait3A_820, %dma_wait3A_821] : memref<32768x2048xf32, #tpu.memory_space<hbm>> -> memref<64x128xf32, #tpu.memory_space<hbm>>
      tpu.wait_dma2 semaphore(%arg18 : memref<!tpu.dma_semaphore, #tpu.memory_space<semaphore_mem>>) src(%arg10 : memref<64x128xf32, #tpu.memory_space<vmem>>) dst(%dma_wait3A_822 : memref<64x128xf32, #tpu.memory_space<hbm>>)
      %dma_start3A_823 = arith.constant 1856 : i32
      %dma_start3A_824 = tpu.memref_slice %arg5[%dma_start3A_823] : memref<2048xi32, #tpu.memory_space<vmem>> -> memref<64xi32, #tpu.memory_space<vmem>>
      %dma_start3A_825 = arith.constant 0 : i32
      %dma_start3A_826 = arith.constant 0 : i32
      %dma_start3A_827 = tpu.memref_slice %arg6[%dma_start3A_825, %dma_start3A_826] : memref<8192x128xf32, #tpu.memory_space<vmem_shared>> -> memref<8192x128xf32, #tpu.memory_space<vmem_shared>>
      tpu.enqueue_indirect_dma source(%dma_start3A_827 : memref<8192x128xf32, #tpu.memory_space<vmem_shared>>) target(%arg10 : memref<64x128xf32, #tpu.memory_space<vmem>>) offsets(%dma_start3A_824 : memref<64xi32, #tpu.memory_space<vmem>>) semaphore(%arg15 : memref<!tpu.dma_semaphore, #tpu.memory_space<semaphore_mem>>)
      %dma_wait3A_828 = arith.constant 0 : i32
      %dma_wait3A_829 = tpu.memref_slice %arg5[%dma_wait3A_828] : memref<2048xi32, #tpu.memory_space<vmem>> -> memref<64xi32, #tpu.memory_space<vmem>>
      %dma_wait3A_830 = arith.constant 0 : i32
      %dma_wait3A_831 = arith.constant 0 : i32
      %dma_wait3A_832 = tpu.memref_slice %arg6[%dma_wait3A_830, %dma_wait3A_831] : memref<8192x128xf32, #tpu.memory_space<vmem_shared>> -> memref<8192x128xf32, #tpu.memory_space<vmem_shared>>
      tpu.wait_indirect_dma semaphore(%arg13 : memref<!tpu.dma_semaphore, #tpu.memory_space<semaphore_mem>>) src(%dma_wait3A_832 : memref<8192x128xf32, #tpu.memory_space<vmem_shared>>) dst(%arg8 : memref<64x128xf32, #tpu.memory_space<vmem>>)
      %add3A_833 = arith.constant 1728 : i32
      %add3A_834 = arith.addi %mul3A_0, %add3A_833 : i32
      %mul3A_835 = arith.constant 8 : i32
      %mul3A_836 = arith.muli %arg0, %mul3A_835 : i32
      %add3A_837 = arith.addi %mul3A_836, %scan3A_129 : i32
      %mul3A_838 = arith.constant 128 : i32
      %mul3A_839 = arith.muli %add3A_837, %mul3A_838 : i32
      %dma_start3A_840 = tpu.memref_slice %arg4[%add3A_834, %mul3A_839] : memref<32768x2048xf32, #tpu.memory_space<hbm>> -> memref<64x128xf32, #tpu.memory_space<hbm>>
      %dma_start3A_841 = tpu.memref_slice %arg4[%add3A_834, %mul3A_839] : memref<32768x2048xf32, #tpu.memory_space<hbm>> -> memref<64x128xf32, #tpu.memory_space<hbm>>
      tpu.enqueue_dma source(%arg8 : memref<64x128xf32, #tpu.memory_space<vmem>>) target(%dma_start3A_841 : memref<64x128xf32, #tpu.memory_space<hbm>>) target_semaphore(%arg16 : memref<!tpu.dma_semaphore, #tpu.memory_space<semaphore_mem>>)
      %dma_wait3A_842 = arith.constant 0 : i32
      %dma_wait3A_843 = arith.constant 0 : i32
      %dma_wait3A_844 = tpu.memref_slice %arg4[%dma_wait3A_842, %dma_wait3A_843] : memref<32768x2048xf32, #tpu.memory_space<hbm>> -> memref<64x128xf32, #tpu.memory_space<hbm>>
      %dma_wait3A_845 = arith.constant 0 : i32
      %dma_wait3A_846 = arith.constant 0 : i32
      %dma_wait3A_847 = tpu.memref_slice %arg4[%dma_wait3A_845, %dma_wait3A_846] : memref<32768x2048xf32, #tpu.memory_space<hbm>> -> memref<64x128xf32, #tpu.memory_space<hbm>>
      tpu.wait_dma2 semaphore(%arg16 : memref<!tpu.dma_semaphore, #tpu.memory_space<semaphore_mem>>) src(%arg8 : memref<64x128xf32, #tpu.memory_space<vmem>>) dst(%dma_wait3A_847 : memref<64x128xf32, #tpu.memory_space<hbm>>)
      %dma_start3A_848 = arith.constant 1920 : i32
      %dma_start3A_849 = tpu.memref_slice %arg5[%dma_start3A_848] : memref<2048xi32, #tpu.memory_space<vmem>> -> memref<64xi32, #tpu.memory_space<vmem>>
      %dma_start3A_850 = arith.constant 0 : i32
      %dma_start3A_851 = arith.constant 0 : i32
      %dma_start3A_852 = tpu.memref_slice %arg6[%dma_start3A_850, %dma_start3A_851] : memref<8192x128xf32, #tpu.memory_space<vmem_shared>> -> memref<8192x128xf32, #tpu.memory_space<vmem_shared>>
      tpu.enqueue_indirect_dma source(%dma_start3A_852 : memref<8192x128xf32, #tpu.memory_space<vmem_shared>>) target(%arg8 : memref<64x128xf32, #tpu.memory_space<vmem>>) offsets(%dma_start3A_849 : memref<64xi32, #tpu.memory_space<vmem>>) semaphore(%arg13 : memref<!tpu.dma_semaphore, #tpu.memory_space<semaphore_mem>>)
      %dma_wait3A_853 = arith.constant 0 : i32
      %dma_wait3A_854 = tpu.memref_slice %arg5[%dma_wait3A_853] : memref<2048xi32, #tpu.memory_space<vmem>> -> memref<64xi32, #tpu.memory_space<vmem>>
      %dma_wait3A_855 = arith.constant 0 : i32
      %dma_wait3A_856 = arith.constant 0 : i32
      %dma_wait3A_857 = tpu.memref_slice %arg6[%dma_wait3A_855, %dma_wait3A_856] : memref<8192x128xf32, #tpu.memory_space<vmem_shared>> -> memref<8192x128xf32, #tpu.memory_space<vmem_shared>>
      tpu.wait_indirect_dma semaphore(%arg14 : memref<!tpu.dma_semaphore, #tpu.memory_space<semaphore_mem>>) src(%dma_wait3A_857 : memref<8192x128xf32, #tpu.memory_space<vmem_shared>>) dst(%arg9 : memref<64x128xf32, #tpu.memory_space<vmem>>)
      %add3A_858 = arith.constant 1792 : i32
      %add3A_859 = arith.addi %mul3A_0, %add3A_858 : i32
      %mul3A_860 = arith.constant 8 : i32
      %mul3A_861 = arith.muli %arg0, %mul3A_860 : i32
      %add3A_862 = arith.addi %mul3A_861, %scan3A_129 : i32
      %mul3A_863 = arith.constant 128 : i32
      %mul3A_864 = arith.muli %add3A_862, %mul3A_863 : i32
      %dma_start3A_865 = tpu.memref_slice %arg4[%add3A_859, %mul3A_864] : memref<32768x2048xf32, #tpu.memory_space<hbm>> -> memref<64x128xf32, #tpu.memory_space<hbm>>
      %dma_start3A_866 = tpu.memref_slice %arg4[%add3A_859, %mul3A_864] : memref<32768x2048xf32, #tpu.memory_space<hbm>> -> memref<64x128xf32, #tpu.memory_space<hbm>>
      tpu.enqueue_dma source(%arg9 : memref<64x128xf32, #tpu.memory_space<vmem>>) target(%dma_start3A_866 : memref<64x128xf32, #tpu.memory_space<hbm>>) target_semaphore(%arg17 : memref<!tpu.dma_semaphore, #tpu.memory_space<semaphore_mem>>)
      %dma_wait3A_867 = arith.constant 0 : i32
      %dma_wait3A_868 = arith.constant 0 : i32
      %dma_wait3A_869 = tpu.memref_slice %arg4[%dma_wait3A_867, %dma_wait3A_868] : memref<32768x2048xf32, #tpu.memory_space<hbm>> -> memref<64x128xf32, #tpu.memory_space<hbm>>
      %dma_wait3A_870 = arith.constant 0 : i32
      %dma_wait3A_871 = arith.constant 0 : i32
      %dma_wait3A_872 = tpu.memref_slice %arg4[%dma_wait3A_870, %dma_wait3A_871] : memref<32768x2048xf32, #tpu.memory_space<hbm>> -> memref<64x128xf32, #tpu.memory_space<hbm>>
      tpu.wait_dma2 semaphore(%arg17 : memref<!tpu.dma_semaphore, #tpu.memory_space<semaphore_mem>>) src(%arg9 : memref<64x128xf32, #tpu.memory_space<vmem>>) dst(%dma_wait3A_872 : memref<64x128xf32, #tpu.memory_space<hbm>>)
      %dma_start3A_873 = arith.constant 1984 : i32
      %dma_start3A_874 = tpu.memref_slice %arg5[%dma_start3A_873] : memref<2048xi32, #tpu.memory_space<vmem>> -> memref<64xi32, #tpu.memory_space<vmem>>
      %dma_start3A_875 = arith.constant 0 : i32
      %dma_start3A_876 = arith.constant 0 : i32
      %dma_start3A_877 = tpu.memref_slice %arg6[%dma_start3A_875, %dma_start3A_876] : memref<8192x128xf32, #tpu.memory_space<vmem_shared>> -> memref<8192x128xf32, #tpu.memory_space<vmem_shared>>
      tpu.enqueue_indirect_dma source(%dma_start3A_877 : memref<8192x128xf32, #tpu.memory_space<vmem_shared>>) target(%arg9 : memref<64x128xf32, #tpu.memory_space<vmem>>) offsets(%dma_start3A_874 : memref<64xi32, #tpu.memory_space<vmem>>) semaphore(%arg14 : memref<!tpu.dma_semaphore, #tpu.memory_space<semaphore_mem>>)
      %dma_wait3A_878 = arith.constant 0 : i32
      %dma_wait3A_879 = tpu.memref_slice %arg5[%dma_wait3A_878] : memref<2048xi32, #tpu.memory_space<vmem>> -> memref<64xi32, #tpu.memory_space<vmem>>
      %dma_wait3A_880 = arith.constant 0 : i32
      %dma_wait3A_881 = arith.constant 0 : i32
      %dma_wait3A_882 = tpu.memref_slice %arg6[%dma_wait3A_880, %dma_wait3A_881] : memref<8192x128xf32, #tpu.memory_space<vmem_shared>> -> memref<8192x128xf32, #tpu.memory_space<vmem_shared>>
      tpu.wait_indirect_dma semaphore(%arg15 : memref<!tpu.dma_semaphore, #tpu.memory_space<semaphore_mem>>) src(%dma_wait3A_882 : memref<8192x128xf32, #tpu.memory_space<vmem_shared>>) dst(%arg10 : memref<64x128xf32, #tpu.memory_space<vmem>>)
      %add3A_883 = arith.constant 1856 : i32
      %add3A_884 = arith.addi %mul3A_0, %add3A_883 : i32
      %mul3A_885 = arith.constant 8 : i32
      %mul3A_886 = arith.muli %arg0, %mul3A_885 : i32
      %add3A_887 = arith.addi %mul3A_886, %scan3A_129 : i32
      %mul3A_888 = arith.constant 128 : i32
      %mul3A_889 = arith.muli %add3A_887, %mul3A_888 : i32
      %dma_start3A_890 = tpu.memref_slice %arg4[%add3A_884, %mul3A_889] : memref<32768x2048xf32, #tpu.memory_space<hbm>> -> memref<64x128xf32, #tpu.memory_space<hbm>>
      %dma_start3A_891 = tpu.memref_slice %arg4[%add3A_884, %mul3A_889] : memref<32768x2048xf32, #tpu.memory_space<hbm>> -> memref<64x128xf32, #tpu.memory_space<hbm>>
      tpu.enqueue_dma source(%arg10 : memref<64x128xf32, #tpu.memory_space<vmem>>) target(%dma_start3A_891 : memref<64x128xf32, #tpu.memory_space<hbm>>) target_semaphore(%arg18 : memref<!tpu.dma_semaphore, #tpu.memory_space<semaphore_mem>>)
      %dma_wait3A_892 = arith.constant 0 : i32
      %dma_wait3A_893 = tpu.memref_slice %arg5[%dma_wait3A_892] : memref<2048xi32, #tpu.memory_space<vmem>> -> memref<64xi32, #tpu.memory_space<vmem>>
      %dma_wait3A_894 = arith.constant 0 : i32
      %dma_wait3A_895 = arith.constant 0 : i32
      %dma_wait3A_896 = tpu.memref_slice %arg6[%dma_wait3A_894, %dma_wait3A_895] : memref<8192x128xf32, #tpu.memory_space<vmem_shared>> -> memref<8192x128xf32, #tpu.memory_space<vmem_shared>>
      tpu.wait_indirect_dma semaphore(%arg13 : memref<!tpu.dma_semaphore, #tpu.memory_space<semaphore_mem>>) src(%dma_wait3A_896 : memref<8192x128xf32, #tpu.memory_space<vmem_shared>>) dst(%arg8 : memref<64x128xf32, #tpu.memory_space<vmem>>)
      %add3A_897 = arith.constant 1920 : i32
      %add3A_898 = arith.addi %mul3A_0, %add3A_897 : i32
      %mul3A_899 = arith.constant 8 : i32
      %mul3A_900 = arith.muli %arg0, %mul3A_899 : i32
      %add3A_901 = arith.addi %mul3A_900, %scan3A_129 : i32
      %mul3A_902 = arith.constant 128 : i32
      %mul3A_903 = arith.muli %add3A_901, %mul3A_902 : i32
      %dma_start3A_904 = tpu.memref_slice %arg4[%add3A_898, %mul3A_903] : memref<32768x2048xf32, #tpu.memory_space<hbm>> -> memref<64x128xf32, #tpu.memory_space<hbm>>
      %dma_start3A_905 = tpu.memref_slice %arg4[%add3A_898, %mul3A_903] : memref<32768x2048xf32, #tpu.memory_space<hbm>> -> memref<64x128xf32, #tpu.memory_space<hbm>>
      tpu.enqueue_dma source(%arg8 : memref<64x128xf32, #tpu.memory_space<vmem>>) target(%dma_start3A_905 : memref<64x128xf32, #tpu.memory_space<hbm>>) target_semaphore(%arg16 : memref<!tpu.dma_semaphore, #tpu.memory_space<semaphore_mem>>)
      %dma_wait3A_906 = arith.constant 0 : i32
      %dma_wait3A_907 = tpu.memref_slice %arg5[%dma_wait3A_906] : memref<2048xi32, #tpu.memory_space<vmem>> -> memref<64xi32, #tpu.memory_space<vmem>>
      %dma_wait3A_908 = arith.constant 0 : i32
      %dma_wait3A_909 = arith.constant 0 : i32
      %dma_wait3A_910 = tpu.memref_slice %arg6[%dma_wait3A_908, %dma_wait3A_909] : memref<8192x128xf32, #tpu.memory_space<vmem_shared>> -> memref<8192x128xf32, #tpu.memory_space<vmem_shared>>
      tpu.wait_indirect_dma semaphore(%arg14 : memref<!tpu.dma_semaphore, #tpu.memory_space<semaphore_mem>>) src(%dma_wait3A_910 : memref<8192x128xf32, #tpu.memory_space<vmem_shared>>) dst(%arg9 : memref<64x128xf32, #tpu.memory_space<vmem>>)
      %add3A_911 = arith.constant 1984 : i32
      %add3A_912 = arith.addi %mul3A_0, %add3A_911 : i32
      %mul3A_913 = arith.constant 8 : i32
      %mul3A_914 = arith.muli %arg0, %mul3A_913 : i32
      %add3A_915 = arith.addi %mul3A_914, %scan3A_129 : i32
      %mul3A_916 = arith.constant 128 : i32
      %mul3A_917 = arith.muli %add3A_915, %mul3A_916 : i32
      %dma_start3A_918 = tpu.memref_slice %arg4[%add3A_912, %mul3A_917] : memref<32768x2048xf32, #tpu.memory_space<hbm>> -> memref<64x128xf32, #tpu.memory_space<hbm>>
      %dma_start3A_919 = tpu.memref_slice %arg4[%add3A_912, %mul3A_917] : memref<32768x2048xf32, #tpu.memory_space<hbm>> -> memref<64x128xf32, #tpu.memory_space<hbm>>
      tpu.enqueue_dma source(%arg9 : memref<64x128xf32, #tpu.memory_space<vmem>>) target(%dma_start3A_919 : memref<64x128xf32, #tpu.memory_space<hbm>>) target_semaphore(%arg17 : memref<!tpu.dma_semaphore, #tpu.memory_space<semaphore_mem>>)
      %barrier3A_920 = arith.constant 0 : index
      tpu.barrier barrier_id(%barrier3A_920)
      %lt3A_921 = arith.constant 7 : i32
      %lt3A_922 = arith.cmpi slt, %scan3A_129, %lt3A_921 : i32
      %convert_element_type3A_923 = arith.extui %lt3A_922 : i1 to i32
      %cond3A_924 = arith.constant 0 : i32
      %cond3A_925 = arith.cmpi ne, %convert_element_type3A_923, %cond3A_924 : i32
      scf.if %cond3A_925 {
        %add3A_949 = arith.constant 1 : i32
        %add3A_950 = arith.addi %scan3A_129, %add3A_949 : i32
        %mul3A_951 = arith.constant 256 : i32
        %mul3A_952 = arith.muli %arg1, %mul3A_951 : i32
        %mul3A_953 = arith.constant 8 : i32
        %mul3A_954 = arith.muli %arg0, %mul3A_953 : i32
        %add3A_955 = arith.addi %mul3A_954, %add3A_950 : i32
        %mul3A_956 = arith.constant 128 : i32
        %mul3A_957 = arith.muli %add3A_955, %mul3A_956 : i32
        %dma_start3A_958 = arith.constant 0 : i32
        %dma_start3A_959 = tpu.memref_slice %arg6[%mul3A_952, %dma_start3A_958] : memref<8192x128xf32, #tpu.memory_space<vmem_shared>> -> memref<256x128xf32, #tpu.memory_space<vmem_shared>>
        %dma_start3A_960 = tpu.memref_slice %arg3[%mul3A_952, %mul3A_957] : memref<8192x2048xf32, #tpu.memory_space<hbm>> -> memref<256x128xf32, #tpu.memory_space<hbm>>
        tpu.enqueue_dma source(%dma_start3A_960 : memref<256x128xf32, #tpu.memory_space<hbm>>) target(%dma_start3A_959 : memref<256x128xf32, #tpu.memory_space<vmem_shared>>) target_semaphore(%arg11 : memref<!tpu.dma_semaphore, #tpu.memory_space<semaphore_mem>>)
      } else {
      }
      %dma_wait3A_926 = arith.constant 0 : i32
      %dma_wait3A_927 = arith.constant 0 : i32
      %dma_wait3A_928 = tpu.memref_slice %arg4[%dma_wait3A_926, %dma_wait3A_927] : memref<32768x2048xf32, #tpu.memory_space<hbm>> -> memref<64x128xf32, #tpu.memory_space<hbm>>
      %dma_wait3A_929 = arith.constant 0 : i32
      %dma_wait3A_930 = arith.constant 0 : i32
      %dma_wait3A_931 = tpu.memref_slice %arg4[%dma_wait3A_929, %dma_wait3A_930] : memref<32768x2048xf32, #tpu.memory_space<hbm>> -> memref<64x128xf32, #tpu.memory_space<hbm>>
      tpu.wait_dma2 semaphore(%arg16 : memref<!tpu.dma_semaphore, #tpu.memory_space<semaphore_mem>>) src(%arg8 : memref<64x128xf32, #tpu.memory_space<vmem>>) dst(%dma_wait3A_931 : memref<64x128xf32, #tpu.memory_space<hbm>>)
      %dma_wait3A_932 = arith.constant 0 : i32
      %dma_wait3A_933 = arith.constant 0 : i32
      %dma_wait3A_934 = tpu.memref_slice %arg4[%dma_wait3A_932, %dma_wait3A_933] : memref<32768x2048xf32, #tpu.memory_space<hbm>> -> memref<64x128xf32, #tpu.memory_space<hbm>>
      %dma_wait3A_935 = arith.constant 0 : i32
      %dma_wait3A_936 = arith.constant 0 : i32
      %dma_wait3A_937 = tpu.memref_slice %arg4[%dma_wait3A_935, %dma_wait3A_936] : memref<32768x2048xf32, #tpu.memory_space<hbm>> -> memref<64x128xf32, #tpu.memory_space<hbm>>
      tpu.wait_dma2 semaphore(%arg17 : memref<!tpu.dma_semaphore, #tpu.memory_space<semaphore_mem>>) src(%arg9 : memref<64x128xf32, #tpu.memory_space<vmem>>) dst(%dma_wait3A_937 : memref<64x128xf32, #tpu.memory_space<hbm>>)
      %dma_wait3A_938 = arith.constant 0 : i32
      %dma_wait3A_939 = arith.constant 0 : i32
      %dma_wait3A_940 = tpu.memref_slice %arg4[%dma_wait3A_938, %dma_wait3A_939] : memref<32768x2048xf32, #tpu.memory_space<hbm>> -> memref<64x128xf32, #tpu.memory_space<hbm>>
      %dma_wait3A_941 = arith.constant 0 : i32
      %dma_wait3A_942 = arith.constant 0 : i32
      %dma_wait3A_943 = tpu.memref_slice %arg4[%dma_wait3A_941, %dma_wait3A_942] : memref<32768x2048xf32, #tpu.memory_space<hbm>> -> memref<64x128xf32, #tpu.memory_space<hbm>>
      tpu.wait_dma2 semaphore(%arg18 : memref<!tpu.dma_semaphore, #tpu.memory_space<semaphore_mem>>) src(%arg10 : memref<64x128xf32, #tpu.memory_space<vmem>>) dst(%dma_wait3A_943 : memref<64x128xf32, #tpu.memory_space<hbm>>)
      %lt3A_944 = arith.constant 7 : i32
      %lt3A_945 = arith.cmpi slt, %scan3A_129, %lt3A_944 : i32
      %convert_element_type3A_946 = arith.extui %lt3A_945 : i1 to i32
      %cond3A_947 = arith.constant 0 : i32
      %cond3A_948 = arith.cmpi ne, %convert_element_type3A_946, %cond3A_947 : i32
      scf.if %cond3A_948 {
        %dma_wait3A_949 = arith.constant 0 : i32
        %dma_wait3A_950 = arith.constant 0 : i32
        %dma_wait3A_951 = tpu.memref_slice %arg7[%dma_wait3A_949, %dma_wait3A_950] : memref<4096x128xf32, #tpu.memory_space<vmem_shared>> -> memref<256x128xf32, #tpu.memory_space<vmem_shared>>
        %dma_wait3A_952 = arith.constant 0 : i32
        %dma_wait3A_953 = arith.constant 0 : i32
        %dma_wait3A_954 = tpu.memref_slice %arg3[%dma_wait3A_952, %dma_wait3A_953] : memref<8192x2048xf32, #tpu.memory_space<hbm>> -> memref<256x128xf32, #tpu.memory_space<hbm>>
        tpu.wait_dma2 semaphore(%arg12 : memref<!tpu.dma_semaphore, #tpu.memory_space<semaphore_mem>>) src(%dma_wait3A_954 : memref<256x128xf32, #tpu.memory_space<hbm>>) dst(%dma_wait3A_951 : memref<256x128xf32, #tpu.memory_space<vmem_shared>>)
        %mul3A_955 = arith.constant 256 : i32
        %mul3A_956 = arith.muli %arg1, %mul3A_955 : i32
        %add3A_957 = arith.constant 0 : i32
        %add3A_958 = arith.addi %mul3A_956, %add3A_957 : i32
        %dma_start3A_959 = arith.constant 0 : i32
        %dma_start3A_960 = tpu.memref_slice %arg7[%add3A_958, %dma_start3A_959] : memref<4096x128xf32, #tpu.memory_space<vmem_shared>> -> memref<64x128xf32, #tpu.memory_space<vmem_shared>>
        %dma_start3A_961 = arith.constant 0 : i32
        %dma_start3A_962 = tpu.memref_slice %arg7[%add3A_958, %dma_start3A_961] : memref<4096x128xf32, #tpu.memory_space<vmem_shared>> -> memref<64x128xf32, #tpu.memory_space<vmem_shared>>
        tpu.enqueue_dma source(%dma_start3A_962 : memref<64x128xf32, #tpu.memory_space<vmem_shared>>) target(%arg8 : memref<64x128xf32, #tpu.memory_space<vmem>>) target_semaphore(%arg13 : memref<!tpu.dma_semaphore, #tpu.memory_space<semaphore_mem>>)
        %dma_wait3A_963 = arith.constant 0 : i32
        %dma_wait3A_964 = tpu.memref_slice %arg7[%add3A_958, %dma_wait3A_963] : memref<4096x128xf32, #tpu.memory_space<vmem_shared>> -> memref<64x128xf32, #tpu.memory_space<vmem_shared>>
        %dma_wait3A_965 = arith.constant 0 : i32
        %dma_wait3A_966 = tpu.memref_slice %arg7[%add3A_958, %dma_wait3A_965] : memref<4096x128xf32, #tpu.memory_space<vmem_shared>> -> memref<64x128xf32, #tpu.memory_space<vmem_shared>>
        tpu.wait_dma2 semaphore(%arg13 : memref<!tpu.dma_semaphore, #tpu.memory_space<semaphore_mem>>) src(%dma_wait3A_966 : memref<64x128xf32, #tpu.memory_space<vmem_shared>>) dst(%arg8 : memref<64x128xf32, #tpu.memory_space<vmem>>)
        %add3A_967 = arith.constant 4096 : i32
        %add3A_968 = arith.addi %add3A_967, %add3A_958 : i32
        %dma_start3A_969 = arith.constant 0 : i32
        %dma_start3A_970 = tpu.memref_slice %arg6[%add3A_968, %dma_start3A_969] : memref<8192x128xf32, #tpu.memory_space<vmem_shared>> -> memref<64x128xf32, #tpu.memory_space<vmem_shared>>
        %dma_start3A_971 = arith.constant 0 : i32
        %dma_start3A_972 = tpu.memref_slice %arg6[%add3A_968, %dma_start3A_971] : memref<8192x128xf32, #tpu.memory_space<vmem_shared>> -> memref<64x128xf32, #tpu.memory_space<vmem_shared>>
        tpu.enqueue_dma source(%arg8 : memref<64x128xf32, #tpu.memory_space<vmem>>) target(%dma_start3A_972 : memref<64x128xf32, #tpu.memory_space<vmem_shared>>) target_semaphore(%arg16 : memref<!tpu.dma_semaphore, #tpu.memory_space<semaphore_mem>>)
        %mul3A_973 = arith.constant 256 : i32
        %mul3A_974 = arith.muli %arg1, %mul3A_973 : i32
        %add3A_975 = arith.constant 64 : i32
        %add3A_976 = arith.addi %mul3A_974, %add3A_975 : i32
        %dma_start3A_977 = arith.constant 0 : i32
        %dma_start3A_978 = tpu.memref_slice %arg7[%add3A_976, %dma_start3A_977] : memref<4096x128xf32, #tpu.memory_space<vmem_shared>> -> memref<64x128xf32, #tpu.memory_space<vmem_shared>>
        %dma_start3A_979 = arith.constant 0 : i32
        %dma_start3A_980 = tpu.memref_slice %arg7[%add3A_976, %dma_start3A_979] : memref<4096x128xf32, #tpu.memory_space<vmem_shared>> -> memref<64x128xf32, #tpu.memory_space<vmem_shared>>
        tpu.enqueue_dma source(%dma_start3A_980 : memref<64x128xf32, #tpu.memory_space<vmem_shared>>) target(%arg9 : memref<64x128xf32, #tpu.memory_space<vmem>>) target_semaphore(%arg14 : memref<!tpu.dma_semaphore, #tpu.memory_space<semaphore_mem>>)
        %dma_wait3A_981 = arith.constant 0 : i32
        %dma_wait3A_982 = tpu.memref_slice %arg7[%add3A_976, %dma_wait3A_981] : memref<4096x128xf32, #tpu.memory_space<vmem_shared>> -> memref<64x128xf32, #tpu.memory_space<vmem_shared>>
        %dma_wait3A_983 = arith.constant 0 : i32
        %dma_wait3A_984 = tpu.memref_slice %arg7[%add3A_976, %dma_wait3A_983] : memref<4096x128xf32, #tpu.memory_space<vmem_shared>> -> memref<64x128xf32, #tpu.memory_space<vmem_shared>>
        tpu.wait_dma2 semaphore(%arg14 : memref<!tpu.dma_semaphore, #tpu.memory_space<semaphore_mem>>) src(%dma_wait3A_984 : memref<64x128xf32, #tpu.memory_space<vmem_shared>>) dst(%arg9 : memref<64x128xf32, #tpu.memory_space<vmem>>)
        %add3A_985 = arith.constant 4096 : i32
        %add3A_986 = arith.addi %add3A_985, %add3A_976 : i32
        %dma_start3A_987 = arith.constant 0 : i32
        %dma_start3A_988 = tpu.memref_slice %arg6[%add3A_986, %dma_start3A_987] : memref<8192x128xf32, #tpu.memory_space<vmem_shared>> -> memref<64x128xf32, #tpu.memory_space<vmem_shared>>
        %dma_start3A_989 = arith.constant 0 : i32
        %dma_start3A_990 = tpu.memref_slice %arg6[%add3A_986, %dma_start3A_989] : memref<8192x128xf32, #tpu.memory_space<vmem_shared>> -> memref<64x128xf32, #tpu.memory_space<vmem_shared>>
        tpu.enqueue_dma source(%arg9 : memref<64x128xf32, #tpu.memory_space<vmem>>) target(%dma_start3A_990 : memref<64x128xf32, #tpu.memory_space<vmem_shared>>) target_semaphore(%arg17 : memref<!tpu.dma_semaphore, #tpu.memory_space<semaphore_mem>>)
        %mul3A_991 = arith.constant 256 : i32
        %mul3A_992 = arith.muli %arg1, %mul3A_991 : i32
        %add3A_993 = arith.constant 128 : i32
        %add3A_994 = arith.addi %mul3A_992, %add3A_993 : i32
        %dma_start3A_995 = arith.constant 0 : i32
        %dma_start3A_996 = tpu.memref_slice %arg7[%add3A_994, %dma_start3A_995] : memref<4096x128xf32, #tpu.memory_space<vmem_shared>> -> memref<64x128xf32, #tpu.memory_space<vmem_shared>>
        %dma_start3A_997 = arith.constant 0 : i32
        %dma_start3A_998 = tpu.memref_slice %arg7[%add3A_994, %dma_start3A_997] : memref<4096x128xf32, #tpu.memory_space<vmem_shared>> -> memref<64x128xf32, #tpu.memory_space<vmem_shared>>
        tpu.enqueue_dma source(%dma_start3A_998 : memref<64x128xf32, #tpu.memory_space<vmem_shared>>) target(%arg10 : memref<64x128xf32, #tpu.memory_space<vmem>>) target_semaphore(%arg15 : memref<!tpu.dma_semaphore, #tpu.memory_space<semaphore_mem>>)
        %dma_wait3A_999 = arith.constant 0 : i32
        %dma_wait3A_1000 = tpu.memref_slice %arg7[%add3A_994, %dma_wait3A_999] : memref<4096x128xf32, #tpu.memory_space<vmem_shared>> -> memref<64x128xf32, #tpu.memory_space<vmem_shared>>
        %dma_wait3A_1001 = arith.constant 0 : i32
        %dma_wait3A_1002 = tpu.memref_slice %arg7[%add3A_994, %dma_wait3A_1001] : memref<4096x128xf32, #tpu.memory_space<vmem_shared>> -> memref<64x128xf32, #tpu.memory_space<vmem_shared>>
        tpu.wait_dma2 semaphore(%arg15 : memref<!tpu.dma_semaphore, #tpu.memory_space<semaphore_mem>>) src(%dma_wait3A_1002 : memref<64x128xf32, #tpu.memory_space<vmem_shared>>) dst(%arg10 : memref<64x128xf32, #tpu.memory_space<vmem>>)
        %add3A_1003 = arith.constant 4096 : i32
        %add3A_1004 = arith.addi %add3A_1003, %add3A_994 : i32
        %dma_start3A_1005 = arith.constant 0 : i32
        %dma_start3A_1006 = tpu.memref_slice %arg6[%add3A_1004, %dma_start3A_1005] : memref<8192x128xf32, #tpu.memory_space<vmem_shared>> -> memref<64x128xf32, #tpu.memory_space<vmem_shared>>
        %dma_start3A_1007 = arith.constant 0 : i32
        %dma_start3A_1008 = tpu.memref_slice %arg6[%add3A_1004, %dma_start3A_1007] : memref<8192x128xf32, #tpu.memory_space<vmem_shared>> -> memref<64x128xf32, #tpu.memory_space<vmem_shared>>
        tpu.enqueue_dma source(%arg10 : memref<64x128xf32, #tpu.memory_space<vmem>>) target(%dma_start3A_1008 : memref<64x128xf32, #tpu.memory_space<vmem_shared>>) target_semaphore(%arg18 : memref<!tpu.dma_semaphore, #tpu.memory_space<semaphore_mem>>)
        %mul3A_1009 = arith.constant 256 : i32
        %mul3A_1010 = arith.muli %arg1, %mul3A_1009 : i32
        %add3A_1011 = arith.constant 192 : i32
        %add3A_1012 = arith.addi %mul3A_1010, %add3A_1011 : i32
        %dma_wait3A_1013 = arith.constant 4096 : i32
        %dma_wait3A_1014 = arith.constant 0 : i32
        %dma_wait3A_1015 = tpu.memref_slice %arg6[%dma_wait3A_1013, %dma_wait3A_1014] : memref<8192x128xf32, #tpu.memory_space<vmem_shared>> -> memref<64x128xf32, #tpu.memory_space<vmem_shared>>
        %dma_wait3A_1016 = arith.constant 4096 : i32
        %dma_wait3A_1017 = arith.constant 0 : i32
        %dma_wait3A_1018 = tpu.memref_slice %arg6[%dma_wait3A_1016, %dma_wait3A_1017] : memref<8192x128xf32, #tpu.memory_space<vmem_shared>> -> memref<64x128xf32, #tpu.memory_space<vmem_shared>>
        tpu.wait_dma2 semaphore(%arg16 : memref<!tpu.dma_semaphore, #tpu.memory_space<semaphore_mem>>) src(%arg8 : memref<64x128xf32, #tpu.memory_space<vmem>>) dst(%dma_wait3A_1018 : memref<64x128xf32, #tpu.memory_space<vmem_shared>>)
        %dma_start3A_1019 = arith.constant 0 : i32
        %dma_start3A_1020 = tpu.memref_slice %arg7[%add3A_1012, %dma_start3A_1019] : memref<4096x128xf32, #tpu.memory_space<vmem_shared>> -> memref<64x128xf32, #tpu.memory_space<vmem_shared>>
        %dma_start3A_1021 = arith.constant 0 : i32
        %dma_start3A_1022 = tpu.memref_slice %arg7[%add3A_1012, %dma_start3A_1021] : memref<4096x128xf32, #tpu.memory_space<vmem_shared>> -> memref<64x128xf32, #tpu.memory_space<vmem_shared>>
        tpu.enqueue_dma source(%dma_start3A_1022 : memref<64x128xf32, #tpu.memory_space<vmem_shared>>) target(%arg8 : memref<64x128xf32, #tpu.memory_space<vmem>>) target_semaphore(%arg13 : memref<!tpu.dma_semaphore, #tpu.memory_space<semaphore_mem>>)
        %dma_wait3A_1023 = arith.constant 0 : i32
        %dma_wait3A_1024 = tpu.memref_slice %arg7[%add3A_1012, %dma_wait3A_1023] : memref<4096x128xf32, #tpu.memory_space<vmem_shared>> -> memref<64x128xf32, #tpu.memory_space<vmem_shared>>
        %dma_wait3A_1025 = arith.constant 0 : i32
        %dma_wait3A_1026 = tpu.memref_slice %arg7[%add3A_1012, %dma_wait3A_1025] : memref<4096x128xf32, #tpu.memory_space<vmem_shared>> -> memref<64x128xf32, #tpu.memory_space<vmem_shared>>
        tpu.wait_dma2 semaphore(%arg13 : memref<!tpu.dma_semaphore, #tpu.memory_space<semaphore_mem>>) src(%dma_wait3A_1026 : memref<64x128xf32, #tpu.memory_space<vmem_shared>>) dst(%arg8 : memref<64x128xf32, #tpu.memory_space<vmem>>)
        %add3A_1027 = arith.constant 4096 : i32
        %add3A_1028 = arith.addi %add3A_1027, %add3A_1012 : i32
        %dma_start3A_1029 = arith.constant 0 : i32
        %dma_start3A_1030 = tpu.memref_slice %arg6[%add3A_1028, %dma_start3A_1029] : memref<8192x128xf32, #tpu.memory_space<vmem_shared>> -> memref<64x128xf32, #tpu.memory_space<vmem_shared>>
        %dma_start3A_1031 = arith.constant 0 : i32
        %dma_start3A_1032 = tpu.memref_slice %arg6[%add3A_1028, %dma_start3A_1031] : memref<8192x128xf32, #tpu.memory_space<vmem_shared>> -> memref<64x128xf32, #tpu.memory_space<vmem_shared>>
        tpu.enqueue_dma source(%arg8 : memref<64x128xf32, #tpu.memory_space<vmem>>) target(%dma_start3A_1032 : memref<64x128xf32, #tpu.memory_space<vmem_shared>>) target_semaphore(%arg16 : memref<!tpu.dma_semaphore, #tpu.memory_space<semaphore_mem>>)
        %dma_wait3A_1033 = arith.constant 4096 : i32
        %dma_wait3A_1034 = arith.constant 0 : i32
        %dma_wait3A_1035 = tpu.memref_slice %arg6[%dma_wait3A_1033, %dma_wait3A_1034] : memref<8192x128xf32, #tpu.memory_space<vmem_shared>> -> memref<64x128xf32, #tpu.memory_space<vmem_shared>>
        %dma_wait3A_1036 = arith.constant 4096 : i32
        %dma_wait3A_1037 = arith.constant 0 : i32
        %dma_wait3A_1038 = tpu.memref_slice %arg6[%dma_wait3A_1036, %dma_wait3A_1037] : memref<8192x128xf32, #tpu.memory_space<vmem_shared>> -> memref<64x128xf32, #tpu.memory_space<vmem_shared>>
        tpu.wait_dma2 semaphore(%arg17 : memref<!tpu.dma_semaphore, #tpu.memory_space<semaphore_mem>>) src(%arg9 : memref<64x128xf32, #tpu.memory_space<vmem>>) dst(%dma_wait3A_1038 : memref<64x128xf32, #tpu.memory_space<vmem_shared>>)
        %dma_wait3A_1039 = arith.constant 4096 : i32
        %dma_wait3A_1040 = arith.constant 0 : i32
        %dma_wait3A_1041 = tpu.memref_slice %arg6[%dma_wait3A_1039, %dma_wait3A_1040] : memref<8192x128xf32, #tpu.memory_space<vmem_shared>> -> memref<64x128xf32, #tpu.memory_space<vmem_shared>>
        %dma_wait3A_1042 = arith.constant 4096 : i32
        %dma_wait3A_1043 = arith.constant 0 : i32
        %dma_wait3A_1044 = tpu.memref_slice %arg6[%dma_wait3A_1042, %dma_wait3A_1043] : memref<8192x128xf32, #tpu.memory_space<vmem_shared>> -> memref<64x128xf32, #tpu.memory_space<vmem_shared>>
        tpu.wait_dma2 semaphore(%arg18 : memref<!tpu.dma_semaphore, #tpu.memory_space<semaphore_mem>>) src(%arg10 : memref<64x128xf32, #tpu.memory_space<vmem>>) dst(%dma_wait3A_1044 : memref<64x128xf32, #tpu.memory_space<vmem_shared>>)
        %dma_wait3A_1045 = arith.constant 4096 : i32
        %dma_wait3A_1046 = arith.constant 0 : i32
        %dma_wait3A_1047 = tpu.memref_slice %arg6[%dma_wait3A_1045, %dma_wait3A_1046] : memref<8192x128xf32, #tpu.memory_space<vmem_shared>> -> memref<64x128xf32, #tpu.memory_space<vmem_shared>>
        %dma_wait3A_1048 = arith.constant 4096 : i32
        %dma_wait3A_1049 = arith.constant 0 : i32
        %dma_wait3A_1050 = tpu.memref_slice %arg6[%dma_wait3A_1048, %dma_wait3A_1049] : memref<8192x128xf32, #tpu.memory_space<vmem_shared>> -> memref<64x128xf32, #tpu.memory_space<vmem_shared>>
        tpu.wait_dma2 semaphore(%arg16 : memref<!tpu.dma_semaphore, #tpu.memory_space<semaphore_mem>>) src(%arg8 : memref<64x128xf32, #tpu.memory_space<vmem>>) dst(%dma_wait3A_1050 : memref<64x128xf32, #tpu.memory_space<vmem_shared>>)
      } else {
      }
    }
    %scan3A_128 = arith.constant 8 : i32
    return
  }
}

</mosaic_0001>

<sc_bundles>
// kernel: kernel.3.cloned.1.call-start
scs
__scs_entry_jumppad:
0x0: {  	(pc) =	sbr.rel $0x88, $3  }
0x1: {  	(tag) =	ssettag $0x0;
	lr =	simm.s32 $0x1  }
0x2: {  	[smem:$0x3F9F] =	sst lr;
	_ =	strace $0xD0000000  }
0x3: {  	_ = 	snop  }
0x4: {  	_ = 	snop  }
0x5: {  	_ = 	snop  }
0x6: {  	_ = 	snop  }
0x7: {  	_ = 	snop  }
__scs_overlays_trampoline_lowered:
0x8: {  	[smem:$0x3FAE] =	sst s0  }
0x9: {  	[smem:$0x3FAF] =	sst s1  }
0xa: {  	[smem:$0x3FB0] =	sst s2  }
0xb: {  	[smem:$0x3FB1] =	sst s3  }
0xc: {  	[smem:$0x3FB2] =	sst s4  }
0xd: {  	[smem:$0x3FB3] =	sst s5  }
0xe: {  	[smem:$0x3FB4] =	sst s6  }
0xf: {  	[smem:$0x3FB5] =	sst s7  }
0x10: {  	[smem:$0x3FB6] =	sst s8  }
0x11: {  	[smem:$0x3FB7] =	sst s9;
	s0 =	simm.s32 @!p0 $0x0  }
0x12: {  	s1 =	sld [smem:$0x3F9D];
	s0 =	simm.s32 @p0 $0x1  }
0x13: {  	[smem:$0x3FB8] =	sst s0;
	s0 =	simm.s32 @!p1 $0x0  }
0x14: {  	s2 =	sld [smem:$0x3F9C];
	s0 =	simm.s32 @p1 $0x1  }
0x15: {  	[smem:$0x3FB9] =	sst s0;
	s0 =	simm.s32 @!p2 $0x0  }
0x16: {  	s3 =	sld [smem:$0x3FDB];
	s0 =	simm.s32 @p2 $0x1  }
0x17: {  	s4 =	simm.s32 $0x1BF5;
	[smem:$0x3FBB] =	sst s0  }
0x18: {  	s0 =	sld [smem:$0x3F9E];
	_ =	swait.ge [sflag:s4], $0x0  }
0x19: {  	s7 =	sld [smem:$0x3F9F]  }
0x1a: {  	s8 =	sadd.s32 $0xFFFFE003, lr  }
0x1b: {  	s9 =	sadd.s32 $0xFFFFFEF7, lr;
	s5 =	simm.s32 $0xFFFFFFFF;
	p2 =	slt.u32 s8, $0xFFFFF086  }
0x1c: {  	p1 =	slt.u32 s9, $0xF7A;
	s5 =	simm.s32 @!p2 $0x0  }
0x1d: {  	s5 =	simm.s32 @p1 $0x1;
	p0 =	seq.s32 s7, s2  }
0x1e: {  	s7 =	smul.u32 @!p0 $0xF7A, s2;
	p2 =	seq.s32 @!p0 s5, $0x0  }
0x1f: {  	s9 =	smul.u32 $0xF7A, s1;
	s8 =	simm.s32 @!p0 $0x1BF5;
	p2 =	por !p2, p0  }
0x20: {  	[sflag:s8] =	ssyncset.s32 @!p0 $0xFFFFF086;
	s6 =	sadd.s32 @!p0 s3, s7;
	s7 =	simm.s32 @!p0 $0x108  }
0x21: {  	s3 =	sadd.s32 s3, s9;
	s6 =	sadd.s32 @!p0 $0x88, s6;
	s7 =	simm.s32 @p2 $0x1082  }
0x22: {  	[simem:s7], [sflag:s8] =	dma.local @!p0 [hbm:s6], $0xF7A  }
0x23: {  	s9 =	sor.u32 $0xD0000000, s2;
	s6 =	simm.s32 $0x108;
	_ =	swait.ge @!p0 [sflag:s8], $0x0  }
0x24: {  	s3 =	sadd.s32 $0x88, s3;
	s6 =	simm.s32 @!p1 $0x1082;
	[sflag:s4] =	ssyncset.s32 $0xFFFFF086  }
0x25: {  	[simem:s6], [sflag:s4] =	dma.local [hbm:s3], $0xF7A  }
0x26: {  	[smem:$0x3F9F] =	sst s1;
	(tag) =	ssettag s2;
	_ =	strace s9  }
0x27: {  	s1 =	sld [smem:$0x3FAF]  }
0x28: {  	s2 =	sld [smem:$0x3FB0]  }
0x29: {  	s4 =	sld [smem:$0x3FB2]  }
0x2a: {  	p0 =	seq.s32 s5, $0x0;
	s5 =	sld [smem:$0x3FB3]  }
0x2b: {  	s6 =	sld [smem:$0x3FB4]  }
0x2c: {  	s7 =	sld [smem:$0x3FB5]  }
0x2d: {  	s3 =	simm.s32 $0x108;
	s8 =	sld [smem:$0x3FB6]  }
0x2e: {  	s3 =	simm.s32 @!p0 $0x1082;
	s9 =	sld [smem:$0x3FB7]  }
0x2f: {  	lr =	sadd.s32 s0, s3;
	s0 =	sld [smem:$0x3FAE]  }
0x30: {  	s3 =	sld [smem:$0x3FB1]  }
0x31: {  	[smem:$0x3FBA] =	sst s10  }
0x32: {  	s10 =	sld [smem:$0x3FB8];
	_ =	sdelay $0x3  }
0x33: {  	p0 =	seq.s32 s10, $0x1;
	s10 =	sld [smem:$0x3FBA];
	_ =	sdelay $0x3  }
0x34: {  	[smem:$0x3FBA] =	sst s10  }
0x35: {  	s10 =	sld [smem:$0x3FB9];
	_ =	sdelay $0x3  }
0x36: {  	p1 =	seq.s32 s10, $0x1;
	s10 =	sld [smem:$0x3FBA];
	_ =	sdelay $0x3  }
0x37: {  	[smem:$0x3FBA] =	sst s10  }
0x38: {  	s10 =	sld [smem:$0x3FBB]  }
0x39: {  	_ = 	snop;
	(pc) =	sbr.ind lr, $3  }
0x3a: {  	_ = 	snop  }
0x3b: {  	_ = 	snop  }
0x3c: {  	p2 =	seq.s32 s10, $0x1;
	s10 =	sld [smem:$0x3FBA]  }
0x3d: {  	_ =	shalt  }
0x3e: {  	_ =	shalt  }
0x3f: {  	_ =	shalt  }
0x40: {  	_ =	shalt  }
0x41: {  	_ =	shalt  }
0x42: {  	_ =	shalt  }
0x43: {  	_ =	shalt  }
0x44: {  	_ =	shalt  }
0x45: {  	_ =	shalt  }
0x46: {  	_ =	shalt  }
0x47: {  	_ =	shalt  }
0x48: {  	_ =	shalt  }
0x49: {  	_ =	shalt  }
0x4a: {  	_ =	shalt  }
0x4b: {  	_ =	shalt  }
0x4c: {  	_ =	shalt  }
0x4d: {  	_ =	shalt  }
0x4e: {  	_ =	shalt  }
0x4f: {  	_ =	shalt  }
0x50: {  	_ =	shalt  }
0x51: {  	_ =	shalt  }
0x52: {  	_ =	shalt  }
0x53: {  	_ =	shalt  }
0x54: {  	_ =	shalt  }
0x55: {  	_ =	shalt  }
0x56: {  	_ =	shalt  }
0x57: {  	_ =	shalt  }
0x58: {  	_ =	shalt  }
0x59: {  	_ =	shalt  }
0x5a: {  	_ =	shalt  }
0x5b: {  	_ =	shalt  }
0x5c: {  	_ =	shalt  }
0x5d: {  	_ =	shalt  }
0x5e: {  	_ =	shalt  }
0x5f: {  	_ =	shalt  }
0x60: {  	_ =	shalt  }
0x61: {  	_ =	shalt  }
0x62: {  	_ =	shalt  }
0x63: {  	_ =	shalt  }
0x64: {  	_ =	shalt  }
0x65: {  	_ =	shalt  }
0x66: {  	_ =	shalt  }
0x67: {  	_ =	shalt  }
0x68: {  	_ =	shalt  }
0x69: {  	_ =	shalt  }
0x6a: {  	_ =	shalt  }
0x6b: {  	_ =	shalt  }
0x6c: {  	_ =	shalt  }
0x6d: {  	_ =	shalt  }
0x6e: {  	_ =	shalt  }
0x6f: {  	_ =	shalt  }
0x70: {  	_ =	shalt  }
0x71: {  	_ =	shalt  }
0x72: {  	_ =	shalt  }
0x73: {  	_ =	shalt  }
0x74: {  	_ =	shalt  }
0x75: {  	_ =	shalt  }
0x76: {  	_ =	shalt  }
0x77: {  	_ =	shalt  }
0x78: {  	_ =	shalt  }
0x79: {  	_ =	shalt  }
0x7a: {  	_ =	shalt  }
0x7b: {  	_ =	shalt  }
0x7c: {  	_ =	shalt  }
0x7d: {  	_ =	shalt  }
0x7e: {  	_ =	shalt  }
0x7f: {  	_ =	shalt  }
0x80: {  	_ =	shalt  }
0x81: {  	_ =	shalt  }
0x82: {  	_ =	shalt  }
0x83: {  	_ =	shalt  }
0x84: {  	_ =	shalt  }
0x85: {  	_ =	shalt  }
0x86: {  	_ =	shalt  }
0x87: {  	_ =	shalt  }
.Lfunc_end0:
.L_simem_size_0:
called_computation_lowered:
.L_overlay_start_0:
0x88: {  	s2 =	sld [smem:$0x3FD9]  }
0x89: {  	s3 =	sld [smem:$0x3FFE];
	_ =	sdelay $0x1  }
0x8a: {  	s1 =	srdreg.scid  }
0x8b: {  	s0 =	sand.u32 $0x1, s1  }
0x8c: {  	s17 =	sshll.u32 s0, $0xA;
	s2 =	sadd.s32 s3, s2  }
0x8d: {  	s2 =	sadd.s32 s2, s17  }
0x8e: {  	[smem:$0x3FC6] =	sst s2  }
0x8f: {  	_ = 	snop  }
0x90: {  	s2 =	sld [smem:$0x3FC8]  }
0x91: {  	s18 =	sld [smem:$0x3FD0];
	(tm) =	ssettm $0x1  }
0x92: {  	s4 =	sld [smem:$0x3FFB];
	_ =	sdelay $0x3  }
0x93: {  	_ =	strace s4  }
0x94: {  	s4 =	sld [smem:$0x3FFC];
	_ =	sdelay $0x3  }
0x95: {  	_ =	strace s4  }
0x96: {  	s4 =	sld [smem:$0x3FFD];
	_ =	sdelay $0x3  }
0x97: {  	_ =	strace s4  }
0x98: {  	_ =	strace $0x8FFFFFFF  }
0x99: {  	s19 =	sld [smem:$0x3FDB];
	_ =	sdelay $0x1  }
0x9a: {  	s5 =	simm.s32 $_scs_section_size  }
0x9b: {  	s6 =	simm.s32 $_size__tile_overlayer_lowered;
	s7 =	simm.s32 $_tile_overlayer_lowered  }
0x9c: {  	s22 =	simm.s32 $0x1BFF;
	s21 =	sshll.u32 s7, $0x1;
	s4 =	sadd.s32 s5, s19  }
0x9d: {  	s8 =	simm.s32 $0x0;
	s20 =	sshll.u32 s6, $0x1;
	s6 =	sadd.s32 s21, s4  }
0x9e: {  	[timem:s8], [sflag:s22] =	dma.local [hbm:s6], s20  }
0x9f: {  	_ =	swait.ge [sflag:s22], s20  }
0xa0: {  	s5 =	ssub.s32 $0x0, s20;
	[sflag:s22] =	ssyncset.done $0x0  }
0xa1: {  	[sflag:s22] =	ssyncadd.s32 s5;
	_ =	sdelay $0x1  }
0xa2: {  	s23 =	simm.s32 $0x1B8B  }
0xa3: {  	_ =	swait.ge [sflag:s23], $0x1  }
0xa4: {  	[sflag:s23] =	ssyncset.done $0x0  }
0xa5: {  	s25 =	simm.s32 $0x1B8E;
	s24 =	sld [smem:$0x3FFE];
	[sflag:s23] =	ssyncadd.s32 $0xFFFFFFFF  }
0xa6: {  	s26 =	simm.s32 $execute0_lowered;
	[smem:$0x3FD2] =	sst s25  }
0xa7: {  	s6 =	sshll.u32 s26, $0x1;
	_ =	strace $0x80000046;
	[dreg:$0x1] =	wrdreg $0xFFFFFFFF  }
0xa8: {  	s28 =	simm.s32 $_size_execute0_lowered;
	s4 =	sadd.s32 s4, s6;
	[dreg:$0x0] =	wrdreg $0x0  }
0xa9: {  	s6 =	sshll.u32 s28, $0x1;
	[dreg:$0x2] =	wrdreg s4  }
0xaa: {  	[dreg:$0x3] =	wrdreg s6  }
0xab: {  	[dreg:$0x4] =	wrdreg $0xC0  }
0xac: {  	_ =	task [dreg:s8], $0x5FFFF  }
0xad: {  	[dreg:$0x1] =	wrdreg $0xFFFFFFFF  }
0xae: {  	[dreg:$0x0] =	wrdreg $0x60  }
0xaf: {  	[dreg:$0x2] =	wrdreg s24  }
0xb0: {  	[dreg:$0x3] =	wrdreg s2  }
0xb1: {  	[dreg:$0x4] =	wrdreg s18  }
0xb2: {  	[dreg:$0x5] =	wrdreg $0x8000  }
0xb3: {  	[dreg:$0x6] =	wrdreg $0x108000  }
0xb4: {  	[dreg:$0x7] =	wrdreg $0x9  }
0xb5: {  	_ =	task.clear_ibuf [dreg:s8], $0x8FFFF;
	_ =	strace $0x90000046  }
0xb6: {  	s29 =	simm.s32 $0x9;
	_ =	strace $0x80000048  }
0xb7: {  	_ =	swait.ge [sflag:s29], $0x1  }
0xb8: {  	[sflag:s29] =	ssyncadd.s32 $0xFFFFFFFF  }
0xb9: {  	_ =	strace $0x90000048  }
0xba: {  	_ =	sfence  }
0xbb: {  	s30 =	sld [smem:$0x0];
	_ =	sdelay $0x2  }
0xbc: {  	s31 =	sshll.u32 s1, $0xD;
	s1 =	sshrl.u32 s1, $0x2  }
0xbd: {  	s3 =	sand.u32 $0x4000, s31;
	s1 =	sadd.s32 s1, s30  }
0xbe: {  	s0 =	sor.u32 s3, s0;
	s1 =	sshll.u32 s1, $0x11  }
0xbf: {  	s0 =	sor.u32 s1, s0  }
0xc0: {  	s0 =	sadd.s32 $0x8F2B, s0  }
0xc1: {  	[sflag:s0] =	ssyncadd.remote.s32 $0x1  }
0xc2: {  	_ =	sfence.sel $0xFFFF  }
0xc3: {  	[dreg:$0x0] =	wrdreg $0xFFFFFFFF;
	(pc) =	sbr.abs _section_cstart, $3  }
0xc4: {  	[dreg:$0x1] =	wrdreg $0xFFFFFFFF  }
0xc5: {  	_ =	task.clear_ibuf [dreg:s8], $0x2FFFF;
	_ =	strace $0x9FFFFFFF  }
0xc6: {  	(tm) =	ssettm $0x7FFFFFFF  }
0xc7: {  	_ =	shalt  }
tec
execute0_lowered:
.L_overlay_start_1:
0x0: {  	(tag) =	ssettag $0x1  }
0x1: {  	s0 =	rddreg [dreg:$0x0]  }
0x2: {  	s1 =	rddreg [dreg:$0x1]  }
0x3: {  	s3 =	rddreg [dreg:$0x2]  }
0x4: {  	s2 =	rddreg [dreg:$0x3]  }
0x5: {  	s4 =	rddreg [dreg:$0x4]  }
0x6: {  	s6 =	simm.s32 $0x0;
	s10 =	stileid.u32;
	s5 =	srdreg.scid  }
0x7: {  	s28 =	simm.s32 $0x3;
	s29 =	simm.s32 $0x1A800;
	s30 =	simm.s32 $0x4  }
0x8: {  	s31 =	simm.s32 $0x1C800;
	[smem:$0x7FF] =	sst s6;
	s9 =	sshll.u32 s10, $0x4  }
0x9: {  	s5 =	sand.u32 $0x1, s5;
	s8 =	sshll.u32 s10, $0x8;
	s16 =	sshll.u32 s10, $0x13  }
0xa: {  	s10 =	sshll.u32 s10, $0xF;
	s6 =	sand.u32 $0x70, s9;
	s7 =	ssub.s32 $0x2, s5  }
0xb: {  	s9 =	sand.u32 $0x800, s8;
	_ =	strace $0x80000047;
	s12 =	sshll.u32 s5, $0xD  }
0xc: {  	s8 =	sor.u32 $0x1000, s8;
	s3 =	sadd.s32 s16, s3;
	s26 =	sshll.u32 s5, $0xA  }
0xd: {  	s5 =	simm.s32 $0x0;
	s0 =	sadd.s32 s6, s0;
	s11 =	sshrl.u32 s7, $0x1  }
0xe: {  	s13 =	sor.u32 s12, s16;
	s15 =	sshll.u32 s8, $0xB;
	s20 =	sshll.u32 s8, $0x7  }
0xf: {  	s8 =	simm.s32 $0x40;
	s16 =	simm.s32 $0x4000;
	s6 =	ssub.s32 s7, s11  }
0x10: {  	s0 =	sadd.s32 s9, s0;
	s11 =	sshrl.u32 s13, $0x3;
	s7 =	sor.u32 s12, s15  }
0x11: {  	s12 =	sadd.s32 s10, s2;
	s25 =	sor.u32 $0x400, s13;
	s0 =	sadd.s32 $0x400, s0  }
0x12: {  	s17 =	sadd.s32 s1, s11;
	s18 =	sshrl.u32 s7, $0x3;
	[dreg:$0x7] =	wrdreg s12  }
0x13: {  	s7 =	sadd.s32 s10, s4;
	s4 =	sadd.s32 s20, s2;
	[dreg:$0x6] =	wrdreg s0  }
0x14: {  	s22 =	sadd.s32 $0x82000, s12;
	s24 =	sadd.s32 $0x84000, s12;
	[dreg:$0x8] =	wrdreg s17  }
0x15: {  	s15 =	sadd.s32 $0x86000, s12;
	s6 =	smax.u32 s6, $0x1;
	[dreg:$0xa] =	wrdreg s4  }
0x16: {  	s20 =	simm.s32 $0x80;
	s19 =	sadd.s32 s1, s18;
	[dreg:$0xc] =	wrdreg s22  }
0x17: {  	s21 =	sadd.s32 $0x2000, s7;
	s23 =	sadd.s32 $0x4000, s7;
	[dreg:$0xe] =	wrdreg s24  }
0x18: {  	s14 =	sadd.s32 $0x6000, s7;
	s4 =	sshrl.u32 s25, $0x3;
	[dreg:$0xf] =	wrdreg s6  }
0x19: {  	s0 =	sor.u32 $0x800400, s13;
	s25 =	simm.s32 $0x2;
	[dreg:$0x9] =	wrdreg s19  }
.Ltmp0:
0x1a: {  	s6 =	simm.s32 $0x1;
	[dreg:$0xb] =	wrdreg s21;
	(pc) =	sbr.rel .LBB2_1-.Ltmp0, $4  }
0x1b: {  	[dreg:$0xd] =	wrdreg s23;
	s4 =	sadd.s32 s4, s1;
	s0 =	sshrl.u32 s0, $0x3  }
0x1c: {  	s19 =	sadd.s32 s26, s3;
	s21 =	simm.s32 $0x400;
	s23 =	simm.s32 $0x8  }
0x1d: {  	s26 =	simm.s32 $0x18800;
	[dreg:$0x10] =	wrdreg s4;
	s18 =	sadd.s32 s0, s1  }
0x1e: {  	s0 =	simm.s32 $0x5;
	s1 =	simm.s32 $0x6;
	s4 =	simm.s32 $0x7  }
.LBB2_4:
0x1f: {  	_ =	swait.ge [sflag:s1], $0x2000  }
0x20: {  	[sflag:s1] =	ssyncset.done $0x0  }
0x21: {  	[sflag:s1] =	ssyncadd.s32 $0xFFFFE000  }
0x22: {  	_ =	swait.ge [sflag:s4], $0x2000  }
0x23: {  	[sflag:s4] =	ssyncset.done $0x0  }
0x24: {  	[sflag:s4] =	ssyncadd.s32 $0xFFFFE000  }
0x25: {  	_ =	swait.ge [sflag:s23], $0x2000  }
0x26: {  	s5 =	rddreg [dreg:$0x11]  }
0x27: {  	s3 =	rddreg [dreg:$0xf];
	s5 =	sadd.s32 $0x1, s5  }
0x28: {  	p0 =	sne.s32 s5, s3  }
.Ltmp1:
0x29: {  	_ = 	snop;
	(pc) =	sbr.rel @!p0 .LBB2_5-.Ltmp1, $3  }
0x2a: {  	_ =	sdelay $0x1  }
0x2b: {  	[sflag:s23] =	ssyncset.done $0x0  }
0x2c: {  	[sflag:s23] =	ssyncadd.s32 $0xFFFFE000  }
.LBB2_1:
0x2d: {  	[dreg:$0x11] =	wrdreg s5  }
0x2e: {  	s3 =	simm.s32 $0x0;
	s9 =	rddreg [dreg:$0x6];
	s10 =	simm.s32 $0x9  }
0x2f: {  	[tilespmem:s3], [sflag:$0x9] =	stream.strided.gather [hbm4b:s9+s20], $0x800, s21, s20, $0x38;
	[tilespmem:$0x1E800] =	vst v63  }
0x30: {  	s11 =	stileid.u32;
	_ =	swait.ge [sflag:s10], $0x800  }
0x31: {  	s3 =	sshll.u32 s11, $0x6;
	s12 =	rddreg [dreg:$0x7]  }
0x32: {  	s22 =	sor.u32 $0x1C01, s3;
	[sflag:s10] =	ssyncset.done $0x0;
	s13 =	rddreg [dreg:$0x8]  }
0x33: {  	[sflag:s10] =	ssyncadd.s32 $0xFFFFF800;
	s24 =	sshrl.u32 s12, $0x3;
	s10 =	simm.s32 $0x800  }
0x34: {  	[spmem:s24@s20], [sflag:s22] =	dma.strided [hbm:s13@s10], $0x1000, s23, $0x10   }
0x35: {  	s17 =	sshrl.u32 s7, $0x3;
	s3 =	sor.u32 $0x1C02, s3;
	s9 =	rddreg [dreg:$0x9]  }
0x36: {  	[spmem:s17@s20], [sflag:s3] =	dma.strided [hbm:s9@s10], $0x1000, s23, $0x10   }
0x37: {  	_ =	swait.ge [sflag:s25], $0x1000  }
0x38: {  	[sflag:s25] =	ssyncset.done $0x0  }
0x39: {  	[sflag:s25] =	ssyncadd.s32 $0xFFFFF000  }
0x3a: {  	[tilespmem:s26], [sflag:$0x3] =	stream.linear.gather [spmem:s7], $0x2000, $0x38;
	[tilespmem:$0x1E800] =	vst v63  }
0x3b: {  	_ =	swait.ge [sflag:s28], $0x2000  }
0x3c: {  	[sflag:s28] =	ssyncset.done $0x0  }
0x3d: {  	s10 =	rddreg [dreg:$0xa];
	[sflag:s28] =	ssyncadd.s32 $0xFFFFE000  }
0x3e: {  	[spmem:s10] =	stream.linear.scatter [tilespmem:s26], [sflag:$0x6], $0x2000, $0x38;
	[tilespmem:$0x1E800] =	vst v63  }
0x3f: {  	s11 =	rddreg [dreg:$0xb]  }
0x40: {  	[tilespmem:s29], [sflag:$0x4] =	stream.linear.gather [spmem:s11], $0x2000, $0x38;
	[tilespmem:$0x1E800] =	vst v63  }
0x41: {  	_ =	swait.ge [sflag:s30], $0x2000  }
0x42: {  	[sflag:s30] =	ssyncset.done $0x0  }
0x43: {  	s12 =	rddreg [dreg:$0xc];
	[sflag:s30] =	ssyncadd.s32 $0xFFFFE000  }
0x44: {  	[spmem:s12] =	stream.linear.scatter [tilespmem:s29], [sflag:$0x7], $0x2000, $0x38;
	[tilespmem:$0x1E800] =	vst v63  }
0x45: {  	s13 =	rddreg [dreg:$0xd]  }
0x46: {  	[tilespmem:s31], [sflag:$0x5] =	stream.linear.gather [spmem:s13], $0x2000, $0x38;
	[tilespmem:$0x1E800] =	vst v63  }
0x47: {  	_ =	swait.ge [sflag:s0], $0x2000  }
0x48: {  	[sflag:s0] =	ssyncset.done $0x0  }
0x49: {  	s17 =	rddreg [dreg:$0xe];
	[sflag:s0] =	ssyncadd.s32 $0xFFFFE000  }
0x4a: {  	[spmem:s17] =	stream.linear.scatter [tilespmem:s31], [sflag:$0x8], $0x2000, $0x38;
	[tilespmem:$0x1E800] =	vst v63  }
0x4b: {  	_ =	swait.ge [sflag:s1], $0x2000  }
0x4c: {  	[sflag:s1] =	ssyncset.done $0x0  }
0x4d: {  	[sflag:s1] =	ssyncadd.s32 $0xFFFFE000  }
0x4e: {  	[tilespmem:s26], [sflag:$0x3] =	stream.linear.gather [spmem:s14], $0x2000, $0x38;
	[tilespmem:$0x1E800] =	vst v63  }
0x4f: {  	_ =	swait.ge [sflag:s28], $0x2000  }
0x50: {  	[sflag:s28] =	ssyncset.done $0x0  }
0x51: {  	[sflag:s28] =	ssyncadd.s32 $0xFFFFE000  }
0x52: {  	[spmem:s15] =	stream.linear.scatter [tilespmem:s26], [sflag:$0x6], $0x2000, $0x38;
	[tilespmem:$0x1E800] =	vst v63  }
0x53: {  	_ =	swait.ge [sflag:s4], $0x2000  }
0x54: {  	[sflag:s4] =	ssyncset.done $0x0  }
0x55: {  	[sflag:s4] =	ssyncadd.s32 $0xFFFFE000  }
0x56: {  	_ =	swait.ge [sflag:s23], $0x2000  }
0x57: {  	[sflag:s23] =	ssyncset.done $0x0  }
0x58: {  	[sflag:s23] =	ssyncadd.s32 $0xFFFFE000  }
0x59: {  	_ =	swait.ge [sflag:s1], $0x2000  }
0x5a: {  	[sflag:s1] =	ssyncset.done $0x0  }
0x5b: {  	s5 =	simm.s32 $0x0;
	[sflag:s1] =	ssyncadd.s32 $0xFFFFE000  }
.LBB2_2:
0x5c: {  	_ =	swait.ge [sflag:s6], $0x1000  }
0x5d: {  	[sflag:s6] =	ssyncset.done $0x0  }
0x5e: {  	[sflag:s6] =	ssyncadd.s32 $0xFFFFF000  }
0x5f: {  	s9 =	simm.s32 $0x0;
	[bflag:$0x0] =	sbarrier.arrive $0xFFFF  }
0x60: {  	[tilespmem:s26], [sflag:$0x3] =	stream.indirect.gather [spmem:s2], $0x80, s9, s8, $0xb8;
	[tilespmem:$0x1E800] =	vst v63  }
0x61: {  	_ = 	snop  }
0x62: {  	[tilespmem:s29], [sflag:$0x4] =	stream.indirect.gather [spmem:s2], $0x80, s8, s8, $0xb8;
	[tilespmem:$0x1E800] =	vst v63  }
0x63: {  	_ = 	snop  }
0x64: {  	[tilespmem:s31], [sflag:$0x5] =	stream.indirect.gather [spmem:s2], $0x80, s20, s8, $0xb8;
	[tilespmem:$0x1E800] =	vst v63  }
0x65: {  	_ =	swait.ge [sflag:s28], $0x2000  }
0x66: {  	[sflag:s28] =	ssyncset.done $0x0  }
0x67: {  	s17 =	sadd.s32 s5, s19;
	[sflag:s28] =	ssyncadd.s32 $0xFFFFE000  }
0x68: {  	[hbm4b:s17+s21] =	stream.strided.scatter [tilespmem:s26], [sflag:$0x6], $0x2000, s16, s21, $0x38;
	[tilespmem:$0x1E800] =	vst v63  }
0x69: {  	_ =	swait.ge [sflag:s1], $0x2000  }
0x6a: {  	[sflag:s1] =	ssyncset.done $0x0  }
0x6b: {  	s12 =	simm.s32 $0xC0;
	[sflag:s1] =	ssyncadd.s32 $0xFFFFE000  }
0x6c: {  	[tilespmem:s26], [sflag:$0x3] =	stream.indirect.gather [spmem:s2], $0x80, s12, s8, $0xb8;
	[tilespmem:$0x1E800] =	vst v63  }
0x6d: {  	_ =	swait.ge [sflag:s30], $0x2000  }
0x6e: {  	[sflag:s30] =	ssyncset.done $0x0  }
0x6f: {  	s13 =	sadd.s32 $0x4000, s17;
	[sflag:s30] =	ssyncadd.s32 $0xFFFFE000  }
0x70: {  	[hbm4b:s13+s21] =	stream.strided.scatter [tilespmem:s29], [sflag:$0x7], $0x2000, s16, s21, $0x38;
	[tilespmem:$0x1E800] =	vst v63  }
0x71: {  	_ =	swait.ge [sflag:s4], $0x2000  }
0x72: {  	[sflag:s4] =	ssyncset.done $0x0  }
0x73: {  	s10 =	simm.s32 $0x100;
	[sflag:s4] =	ssyncadd.s32 $0xFFFFE000  }
0x74: {  	[tilespmem:s29], [sflag:$0x4] =	stream.indirect.gather [spmem:s2], $0x80, s10, s8, $0xb8;
	[tilespmem:$0x1E800] =	vst v63  }
0x75: {  	_ =	swait.ge [sflag:s0], $0x2000  }
0x76: {  	p0 =	seq.s32 s5, $0x380;
	s11 =	sadd.s32 $0x8000, s17;
	[sflag:s0] =	ssyncset.done $0x0  }
0x77: {  	s9 =	sadd.s32 @!p0 s5, s18;
	s12 =	simm.s32 @!p0 $0x80;
	[sflag:s0] =	ssyncadd.s32 $0xFFFFE000  }
0x78: {  	[hbm4b:s11+s21] =	stream.strided.scatter [tilespmem:s31], [sflag:$0x8], $0x2000, s16, s21, $0x38;
	[tilespmem:$0x1E800] =	vst v63  }
0x79: {  	s13 =	simm.s32 @!p0 $0x800;
	s10 =	sshrl.u32 @!p0 s7, $0x3;
	s11 =	simm.s32 @!p0 $0x8  }
0x7a: {  	[spmem:s10@s12], [sflag:s3] =	dma.strided @!p0 [hbm:s9@s13], $0x1000, s11, $0x10   }
0x7b: {  	_ =	swait.ge [sflag:s23], $0x2000  }
0x7c: {  	[sflag:s23] =	ssyncset.done $0x0  }
0x7d: {  	s12 =	simm.s32 $0x140;
	[sflag:s23] =	ssyncadd.s32 $0xFFFFE000  }
0x7e: {  	[tilespmem:s31], [sflag:$0x5] =	stream.indirect.gather [spmem:s2], $0x80, s12, s8, $0xb8;
	[tilespmem:$0x1E800] =	vst v63  }
0x7f: {  	_ =	swait.ge [sflag:s28], $0x2000  }
0x80: {  	[sflag:s28] =	ssyncset.done $0x0  }
0x81: {  	s13 =	sadd.s32 $0xC000, s17;
	[sflag:s28] =	ssyncadd.s32 $0xFFFFE000  }
0x82: {  	[hbm4b:s13+s21] =	stream.strided.scatter [tilespmem:s26], [sflag:$0x6], $0x2000, s16, s21, $0x38;
	[tilespmem:$0x1E800] =	vst v63  }
0x83: {  	_ =	swait.ge [sflag:s1], $0x2000  }
0x84: {  	[sflag:s1] =	ssyncset.done $0x0  }
0x85: {  	s10 =	simm.s32 $0x180;
	[sflag:s1] =	ssyncadd.s32 $0xFFFFE000  }
0x86: {  	[tilespmem:s26], [sflag:$0x3] =	stream.indirect.gather [spmem:s2], $0x80, s10, s8, $0xb8;
	[tilespmem:$0x1E800] =	vst v63  }
0x87: {  	_ =	swait.ge [sflag:s30], $0x2000  }
0x88: {  	[sflag:s30] =	ssyncset.done $0x0  }
0x89: {  	s11 =	sadd.s32 $0x10000, s17;
	[sflag:s30] =	ssyncadd.s32 $0xFFFFE000  }
0x8a: {  	[hbm4b:s11+s21] =	stream.strided.scatter [tilespmem:s29], [sflag:$0x7], $0x2000, s16, s21, $0x38;
	[tilespmem:$0x1E800] =	vst v63  }
0x8b: {  	_ =	swait.ge [sflag:s4], $0x2000  }
0x8c: {  	[sflag:s4] =	ssyncset.done $0x0  }
0x8d: {  	s12 =	simm.s32 $0x1C0;
	[sflag:s4] =	ssyncadd.s32 $0xFFFFE000  }
0x8e: {  	[tilespmem:s29], [sflag:$0x4] =	stream.indirect.gather [spmem:s2], $0x80, s12, s8, $0xb8;
	[tilespmem:$0x1E800] =	vst v63  }
0x8f: {  	_ =	swait.ge [sflag:s0], $0x2000  }
0x90: {  	[sflag:s0] =	ssyncset.done $0x0  }
0x91: {  	s13 =	sadd.s32 $0x14000, s17;
	[sflag:s0] =	ssyncadd.s32 $0xFFFFE000  }
0x92: {  	[hbm4b:s13+s21] =	stream.strided.scatter [tilespmem:s31], [sflag:$0x8], $0x2000, s16, s21, $0x38;
	[tilespmem:$0x1E800] =	vst v63  }
0x93: {  	_ =	swait.ge [sflag:s23], $0x2000  }
0x94: {  	[sflag:s23] =	ssyncset.done $0x0  }
0x95: {  	s10 =	simm.s32 $0x200;
	[sflag:s23] =	ssyncadd.s32 $0xFFFFE000  }
0x96: {  	[tilespmem:s31], [sflag:$0x5] =	stream.indirect.gather [spmem:s2], $0x80, s10, s8, $0xb8;
	[tilespmem:$0x1E800] =	vst v63  }
0x97: {  	_ =	swait.ge [sflag:s28], $0x2000  }
0x98: {  	[sflag:s28] =	ssyncset.done $0x0  }
0x99: {  	s11 =	sadd.s32 $0x18000, s17;
	[sflag:s28] =	ssyncadd.s32 $0xFFFFE000  }
0x9a: {  	[hbm4b:s11+s21] =	stream.strided.scatter [tilespmem:s26], [sflag:$0x6], $0x2000, s16, s21, $0x38;
	[tilespmem:$0x1E800] =	vst v63  }
0x9b: {  	_ =	swait.ge [sflag:s1], $0x2000  }
0x9c: {  	[sflag:s1] =	ssyncset.done $0x0  }
0x9d: {  	s12 =	simm.s32 $0x240;
	[sflag:s1] =	ssyncadd.s32 $0xFFFFE000  }
0x9e: {  	[tilespmem:s26], [sflag:$0x3] =	stream.indirect.gather [spmem:s2], $0x80, s12, s8, $0xb8;
	[tilespmem:$0x1E800] =	vst v63  }
0x9f: {  	_ =	swait.ge [sflag:s30], $0x2000  }
0xa0: {  	[sflag:s30] =	ssyncset.done $0x0  }
0xa1: {  	s13 =	sadd.s32 $0x1C000, s17;
	[sflag:s30] =	ssyncadd.s32 $0xFFFFE000  }
0xa2: {  	[hbm4b:s13+s21] =	stream.strided.scatter [tilespmem:s29], [sflag:$0x7], $0x2000, s16, s21, $0x38;
	[tilespmem:$0x1E800] =	vst v63  }
0xa3: {  	_ =	swait.ge [sflag:s4], $0x2000  }
0xa4: {  	[sflag:s4] =	ssyncset.done $0x0  }
0xa5: {  	s10 =	simm.s32 $0x280;
	[sflag:s4] =	ssyncadd.s32 $0xFFFFE000  }
0xa6: {  	[tilespmem:s29], [sflag:$0x4] =	stream.indirect.gather [spmem:s2], $0x80, s10, s8, $0xb8;
	[tilespmem:$0x1E800] =	vst v63  }
0xa7: {  	_ =	swait.ge [sflag:s0], $0x2000  }
0xa8: {  	[sflag:s0] =	ssyncset.done $0x0  }
0xa9: {  	s11 =	sadd.s32 $0x20000, s17;
	[sflag:s0] =	ssyncadd.s32 $0xFFFFE000  }
0xaa: {  	[hbm4b:s11+s21] =	stream.strided.scatter [tilespmem:s31], [sflag:$0x8], $0x2000, s16, s21, $0x38;
	[tilespmem:$0x1E800] =	vst v63  }
0xab: {  	_ =	swait.ge [sflag:s23], $0x2000  }
0xac: {  	[sflag:s23] =	ssyncset.done $0x0  }
0xad: {  	s12 =	simm.s32 $0x2C0;
	[sflag:s23] =	ssyncadd.s32 $0xFFFFE000  }
0xae: {  	[tilespmem:s31], [sflag:$0x5] =	stream.indirect.gather [spmem:s2], $0x80, s12, s8, $0xb8;
	[tilespmem:$0x1E800] =	vst v63  }
0xaf: {  	_ =	swait.ge [sflag:s28], $0x2000  }
0xb0: {  	[sflag:s28] =	ssyncset.done $0x0  }
0xb1: {  	s13 =	sadd.s32 $0x24000, s17;
	[sflag:s28] =	ssyncadd.s32 $0xFFFFE000  }
0xb2: {  	[hbm4b:s13+s21] =	stream.strided.scatter [tilespmem:s26], [sflag:$0x6], $0x2000, s16, s21, $0x38;
	[tilespmem:$0x1E800] =	vst v63  }
0xb3: {  	_ =	swait.ge [sflag:s1], $0x2000  }
0xb4: {  	[sflag:s1] =	ssyncset.done $0x0  }
0xb5: {  	s10 =	simm.s32 $0x300;
	[sflag:s1] =	ssyncadd.s32 $0xFFFFE000  }
0xb6: {  	[tilespmem:s26], [sflag:$0x3] =	stream.indirect.gather [spmem:s2], $0x80, s10, s8, $0xb8;
	[tilespmem:$0x1E800] =	vst v63  }
0xb7: {  	_ =	swait.ge [sflag:s30], $0x2000  }
0xb8: {  	[sflag:s30] =	ssyncset.done $0x0  }
0xb9: {  	s11 =	sadd.s32 $0x28000, s17;
	[sflag:s30] =	ssyncadd.s32 $0xFFFFE000  }
0xba: {  	[hbm4b:s11+s21] =	stream.strided.scatter [tilespmem:s29], [sflag:$0x7], $0x2000, s16, s21, $0x38;
	[tilespmem:$0x1E800] =	vst v63  }
0xbb: {  	_ =	swait.ge [sflag:s4], $0x2000  }
0xbc: {  	[sflag:s4] =	ssyncset.done $0x0  }
0xbd: {  	s12 =	simm.s32 $0x340;
	[sflag:s4] =	ssyncadd.s32 $0xFFFFE000  }
0xbe: {  	[tilespmem:s29], [sflag:$0x4] =	stream.indirect.gather [spmem:s2], $0x80, s12, s8, $0xb8;
	[tilespmem:$0x1E800] =	vst v63  }
0xbf: {  	_ =	swait.ge [sflag:s0], $0x2000  }
0xc0: {  	[sflag:s0] =	ssyncset.done $0x0  }
0xc1: {  	s13 =	sadd.s32 $0x2C000, s17;
	[sflag:s0] =	ssyncadd.s32 $0xFFFFE000  }
0xc2: {  	[hbm4b:s13+s21] =	stream.strided.scatter [tilespmem:s31], [sflag:$0x8], $0x2000, s16, s21, $0x38;
	[tilespmem:$0x1E800] =	vst v63  }
0xc3: {  	_ =	swait.ge [sflag:s23], $0x2000  }
0xc4: {  	[sflag:s23] =	ssyncset.done $0x0  }
0xc5: {  	s10 =	simm.s32 $0x380;
	[sflag:s23] =	ssyncadd.s32 $0xFFFFE000  }
0xc6: {  	[tilespmem:s31], [sflag:$0x5] =	stream.indirect.gather [spmem:s2], $0x80, s10, s8, $0xb8;
	[tilespmem:$0x1E800] =	vst v63  }
0xc7: {  	_ =	swait.ge [sflag:s28], $0x2000  }
0xc8: {  	[sflag:s28] =	ssyncset.done $0x0  }
0xc9: {  	s11 =	sadd.s32 $0x30000, s17;
	[sflag:s28] =	ssyncadd.s32 $0xFFFFE000  }
0xca: {  	[hbm4b:s11+s21] =	stream.strided.scatter [tilespmem:s26], [sflag:$0x6], $0x2000, s16, s21, $0x38;
	[tilespmem:$0x1E800] =	vst v63  }
0xcb: {  	_ =	swait.ge [sflag:s1], $0x2000  }
0xcc: {  	[sflag:s1] =	ssyncset.done $0x0  }
0xcd: {  	s12 =	simm.s32 $0x3C0;
	[sflag:s1] =	ssyncadd.s32 $0xFFFFE000  }
0xce: {  	[tilespmem:s26], [sflag:$0x3] =	stream.indirect.gather [spmem:s2], $0x80, s12, s8, $0xb8;
	[tilespmem:$0x1E800] =	vst v63  }
0xcf: {  	_ =	swait.ge [sflag:s30], $0x2000  }
0xd0: {  	[sflag:s30] =	ssyncset.done $0x0  }
0xd1: {  	s13 =	sadd.s32 $0x34000, s17;
	[sflag:s30] =	ssyncadd.s32 $0xFFFFE000  }
0xd2: {  	[hbm4b:s13+s21] =	stream.strided.scatter [tilespmem:s29], [sflag:$0x7], $0x2000, s16, s21, $0x38;
	[tilespmem:$0x1E800] =	vst v63  }
0xd3: {  	_ =	swait.ge [sflag:s4], $0x2000  }
0xd4: {  	[sflag:s4] =	ssyncset.done $0x0  }
0xd5: {  	[sflag:s4] =	ssyncadd.s32 $0xFFFFE000  }
0xd6: {  	[tilespmem:s29], [sflag:$0x4] =	stream.indirect.gather [spmem:s2], $0x80, s21, s8, $0xb8;
	[tilespmem:$0x1E800] =	vst v63  }
0xd7: {  	_ =	swait.ge [sflag:s0], $0x2000  }
0xd8: {  	[sflag:s0] =	ssyncset.done $0x0  }
0xd9: {  	s10 =	sadd.s32 $0x38000, s17;
	[sflag:s0] =	ssyncadd.s32 $0xFFFFE000  }
0xda: {  	[hbm4b:s10+s21] =	stream.strided.scatter [tilespmem:s31], [sflag:$0x8], $0x2000, s16, s21, $0x38;
	[tilespmem:$0x1E800] =	vst v63  }
0xdb: {  	_ =	swait.ge [sflag:s23], $0x2000  }
0xdc: {  	[sflag:s23] =	ssyncset.done $0x0  }
0xdd: {  	s11 =	simm.s32 $0x440;
	[sflag:s23] =	ssyncadd.s32 $0xFFFFE000  }
0xde: {  	[tilespmem:s31], [sflag:$0x5] =	stream.indirect.gather [spmem:s2], $0x80, s11, s8, $0xb8;
	[tilespmem:$0x1E800] =	vst v63  }
0xdf: {  	_ =	swait.ge [sflag:s28], $0x2000  }
0xe0: {  	[sflag:s28] =	ssyncset.done $0x0  }
0xe1: {  	s12 =	sadd.s32 $0x3C000, s17;
	[sflag:s28] =	ssyncadd.s32 $0xFFFFE000  }
0xe2: {  	[hbm4b:s12+s21] =	stream.strided.scatter [tilespmem:s26], [sflag:$0x6], $0x2000, s16, s21, $0x38;
	[tilespmem:$0x1E800] =	vst v63  }
0xe3: {  	_ =	swait.ge [sflag:s1], $0x2000  }
0xe4: {  	[sflag:s1] =	ssyncset.done $0x0  }
0xe5: {  	s13 =	simm.s32 $0x480;
	[sflag:s1] =	ssyncadd.s32 $0xFFFFE000  }
0xe6: {  	[tilespmem:s26], [sflag:$0x3] =	stream.indirect.gather [spmem:s2], $0x80, s13, s8, $0xb8;
	[tilespmem:$0x1E800] =	vst v63  }
0xe7: {  	_ =	swait.ge [sflag:s30], $0x2000  }
0xe8: {  	[sflag:s30] =	ssyncset.done $0x0  }
0xe9: {  	s10 =	sadd.s32 $0x40000, s17;
	[sflag:s30] =	ssyncadd.s32 $0xFFFFE000  }
0xea: {  	[hbm4b:s10+s21] =	stream.strided.scatter [tilespmem:s29], [sflag:$0x7], $0x2000, s16, s21, $0x38;
	[tilespmem:$0x1E800] =	vst v63  }
0xeb: {  	_ =	swait.ge [sflag:s4], $0x2000  }
0xec: {  	[sflag:s4] =	ssyncset.done $0x0  }
0xed: {  	s11 =	simm.s32 $0x4C0;
	[sflag:s4] =	ssyncadd.s32 $0xFFFFE000  }
0xee: {  	[tilespmem:s29], [sflag:$0x4] =	stream.indirect.gather [spmem:s2], $0x80, s11, s8, $0xb8;
	[tilespmem:$0x1E800] =	vst v63  }
0xef: {  	_ =	swait.ge [sflag:s0], $0x2000  }
0xf0: {  	[sflag:s0] =	ssyncset.done $0x0  }
0xf1: {  	s12 =	sadd.s32 $0x44000, s17;
	[sflag:s0] =	ssyncadd.s32 $0xFFFFE000  }
0xf2: {  	[hbm4b:s12+s21] =	stream.strided.scatter [tilespmem:s31], [sflag:$0x8], $0x2000, s16, s21, $0x38;
	[tilespmem:$0x1E800] =	vst v63  }
0xf3: {  	_ =	swait.ge [sflag:s23], $0x2000  }
0xf4: {  	[sflag:s23] =	ssyncset.done $0x0  }
0xf5: {  	s13 =	simm.s32 $0x500;
	[sflag:s23] =	ssyncadd.s32 $0xFFFFE000  }
0xf6: {  	[tilespmem:s31], [sflag:$0x5] =	stream.indirect.gather [spmem:s2], $0x80, s13, s8, $0xb8;
	[tilespmem:$0x1E800] =	vst v63  }
0xf7: {  	_ =	swait.ge [sflag:s28], $0x2000  }
0xf8: {  	[sflag:s28] =	ssyncset.done $0x0  }
0xf9: {  	s10 =	sadd.s32 $0x48000, s17;
	[sflag:s28] =	ssyncadd.s32 $0xFFFFE000  }
0xfa: {  	[hbm4b:s10+s21] =	stream.strided.scatter [tilespmem:s26], [sflag:$0x6], $0x2000, s16, s21, $0x38;
	[tilespmem:$0x1E800] =	vst v63  }
0xfb: {  	_ =	swait.ge [sflag:s1], $0x2000  }
0xfc: {  	[sflag:s1] =	ssyncset.done $0x0  }
0xfd: {  	s11 =	simm.s32 $0x540;
	[sflag:s1] =	ssyncadd.s32 $0xFFFFE000  }
0xfe: {  	[tilespmem:s26], [sflag:$0x3] =	stream.indirect.gather [spmem:s2], $0x80, s11, s8, $0xb8;
	[tilespmem:$0x1E800] =	vst v63  }
0xff: {  	_ =	swait.ge [sflag:s30], $0x2000  }
0x100: {  	[sflag:s30] =	ssyncset.done $0x0  }
0x101: {  	s12 =	sadd.s32 $0x4C000, s17;
	[sflag:s30] =	ssyncadd.s32 $0xFFFFE000  }
0x102: {  	[hbm4b:s12+s21] =	stream.strided.scatter [tilespmem:s29], [sflag:$0x7], $0x2000, s16, s21, $0x38;
	[tilespmem:$0x1E800] =	vst v63  }
0x103: {  	_ =	swait.ge [sflag:s4], $0x2000  }
0x104: {  	[sflag:s4] =	ssyncset.done $0x0  }
0x105: {  	s13 =	simm.s32 $0x580;
	[sflag:s4] =	ssyncadd.s32 $0xFFFFE000  }
0x106: {  	[tilespmem:s29], [sflag:$0x4] =	stream.indirect.gather [spmem:s2], $0x80, s13, s8, $0xb8;
	[tilespmem:$0x1E800] =	vst v63  }
0x107: {  	_ =	swait.ge [sflag:s0], $0x2000  }
0x108: {  	[sflag:s0] =	ssyncset.done $0x0  }
0x109: {  	s10 =	sadd.s32 $0x50000, s17;
	[sflag:s0] =	ssyncadd.s32 $0xFFFFE000  }
0x10a: {  	[hbm4b:s10+s21] =	stream.strided.scatter [tilespmem:s31], [sflag:$0x8], $0x2000, s16, s21, $0x38;
	[tilespmem:$0x1E800] =	vst v63  }
0x10b: {  	_ =	swait.ge [sflag:s23], $0x2000  }
0x10c: {  	[sflag:s23] =	ssyncset.done $0x0  }
0x10d: {  	s11 =	simm.s32 $0x5C0;
	[sflag:s23] =	ssyncadd.s32 $0xFFFFE000  }
0x10e: {  	[tilespmem:s31], [sflag:$0x5] =	stream.indirect.gather [spmem:s2], $0x80, s11, s8, $0xb8;
	[tilespmem:$0x1E800] =	vst v63  }
0x10f: {  	_ =	swait.ge [sflag:s28], $0x2000  }
0x110: {  	[sflag:s28] =	ssyncset.done $0x0  }
0x111: {  	s12 =	sadd.s32 $0x54000, s17;
	[sflag:s28] =	ssyncadd.s32 $0xFFFFE000  }
0x112: {  	[hbm4b:s12+s21] =	stream.strided.scatter [tilespmem:s26], [sflag:$0x6], $0x2000, s16, s21, $0x38;
	[tilespmem:$0x1E800] =	vst v63  }
0x113: {  	_ =	swait.ge [sflag:s1], $0x2000  }
0x114: {  	[sflag:s1] =	ssyncset.done $0x0  }
0x115: {  	s13 =	simm.s32 $0x600;
	[sflag:s1] =	ssyncadd.s32 $0xFFFFE000  }
0x116: {  	[tilespmem:s26], [sflag:$0x3] =	stream.indirect.gather [spmem:s2], $0x80, s13, s8, $0xb8;
	[tilespmem:$0x1E800] =	vst v63  }
0x117: {  	_ =	swait.ge [sflag:s30], $0x2000  }
0x118: {  	[sflag:s30] =	ssyncset.done $0x0  }
0x119: {  	s10 =	sadd.s32 $0x58000, s17;
	[sflag:s30] =	ssyncadd.s32 $0xFFFFE000  }
0x11a: {  	[hbm4b:s10+s21] =	stream.strided.scatter [tilespmem:s29], [sflag:$0x7], $0x2000, s16, s21, $0x38;
	[tilespmem:$0x1E800] =	vst v63  }
0x11b: {  	_ =	swait.ge [sflag:s4], $0x2000  }
0x11c: {  	[sflag:s4] =	ssyncset.done $0x0  }
0x11d: {  	s11 =	simm.s32 $0x640;
	[sflag:s4] =	ssyncadd.s32 $0xFFFFE000  }
0x11e: {  	[tilespmem:s29], [sflag:$0x4] =	stream.indirect.gather [spmem:s2], $0x80, s11, s8, $0xb8;
	[tilespmem:$0x1E800] =	vst v63  }
0x11f: {  	_ =	swait.ge [sflag:s0], $0x2000  }
0x120: {  	[sflag:s0] =	ssyncset.done $0x0  }
0x121: {  	s12 =	sadd.s32 $0x5C000, s17;
	[sflag:s0] =	ssyncadd.s32 $0xFFFFE000  }
0x122: {  	[hbm4b:s12+s21] =	stream.strided.scatter [tilespmem:s31], [sflag:$0x8], $0x2000, s16, s21, $0x38;
	[tilespmem:$0x1E800] =	vst v63  }
0x123: {  	_ =	swait.ge [sflag:s23], $0x2000  }
0x124: {  	[sflag:s23] =	ssyncset.done $0x0  }
0x125: {  	s13 =	simm.s32 $0x680;
	[sflag:s23] =	ssyncadd.s32 $0xFFFFE000  }
0x126: {  	[tilespmem:s31], [sflag:$0x5] =	stream.indirect.gather [spmem:s2], $0x80, s13, s8, $0xb8;
	[tilespmem:$0x1E800] =	vst v63  }
0x127: {  	_ =	swait.ge [sflag:s28], $0x2000  }
0x128: {  	[sflag:s28] =	ssyncset.done $0x0  }
0x129: {  	s10 =	sadd.s32 $0x60000, s17;
	[sflag:s28] =	ssyncadd.s32 $0xFFFFE000  }
0x12a: {  	[hbm4b:s10+s21] =	stream.strided.scatter [tilespmem:s26], [sflag:$0x6], $0x2000, s16, s21, $0x38;
	[tilespmem:$0x1E800] =	vst v63  }
0x12b: {  	_ =	swait.ge [sflag:s1], $0x2000  }
0x12c: {  	[sflag:s1] =	ssyncset.done $0x0  }
0x12d: {  	s11 =	simm.s32 $0x6C0;
	[sflag:s1] =	ssyncadd.s32 $0xFFFFE000  }
0x12e: {  	[tilespmem:s26], [sflag:$0x3] =	stream.indirect.gather [spmem:s2], $0x80, s11, s8, $0xb8;
	[tilespmem:$0x1E800] =	vst v63  }
0x12f: {  	_ =	swait.ge [sflag:s30], $0x2000  }
0x130: {  	[sflag:s30] =	ssyncset.done $0x0  }
0x131: {  	s12 =	sadd.s32 $0x64000, s17;
	[sflag:s30] =	ssyncadd.s32 $0xFFFFE000  }
0x132: {  	[hbm4b:s12+s21] =	stream.strided.scatter [tilespmem:s29], [sflag:$0x7], $0x2000, s16, s21, $0x38;
	[tilespmem:$0x1E800] =	vst v63  }
0x133: {  	_ =	swait.ge [sflag:s4], $0x2000  }
0x134: {  	[sflag:s4] =	ssyncset.done $0x0  }
0x135: {  	s13 =	simm.s32 $0x700;
	[sflag:s4] =	ssyncadd.s32 $0xFFFFE000  }
0x136: {  	[tilespmem:s29], [sflag:$0x4] =	stream.indirect.gather [spmem:s2], $0x80, s13, s8, $0xb8;
	[tilespmem:$0x1E800] =	vst v63  }
0x137: {  	_ =	swait.ge [sflag:s0], $0x2000  }
0x138: {  	[sflag:s0] =	ssyncset.done $0x0  }
0x139: {  	s10 =	sadd.s32 $0x68000, s17;
	[sflag:s0] =	ssyncadd.s32 $0xFFFFE000  }
0x13a: {  	[hbm4b:s10+s21] =	stream.strided.scatter [tilespmem:s31], [sflag:$0x8], $0x2000, s16, s21, $0x38;
	[tilespmem:$0x1E800] =	vst v63  }
0x13b: {  	_ =	swait.ge [sflag:s23], $0x2000  }
0x13c: {  	[sflag:s23] =	ssyncset.done $0x0  }
0x13d: {  	s11 =	simm.s32 $0x740;
	[sflag:s23] =	ssyncadd.s32 $0xFFFFE000  }
0x13e: {  	[tilespmem:s31], [sflag:$0x5] =	stream.indirect.gather [spmem:s2], $0x80, s11, s8, $0xb8;
	[tilespmem:$0x1E800] =	vst v63  }
0x13f: {  	_ =	swait.ge [sflag:s28], $0x2000  }
0x140: {  	[sflag:s28] =	ssyncset.done $0x0  }
0x141: {  	s12 =	sadd.s32 $0x6C000, s17;
	[sflag:s28] =	ssyncadd.s32 $0xFFFFE000  }
0x142: {  	[hbm4b:s12+s21] =	stream.strided.scatter [tilespmem:s26], [sflag:$0x6], $0x2000, s16, s21, $0x38;
	[tilespmem:$0x1E800] =	vst v63  }
0x143: {  	_ =	swait.ge [sflag:s1], $0x2000  }
0x144: {  	[sflag:s1] =	ssyncset.done $0x0  }
0x145: {  	s13 =	simm.s32 $0x780;
	[sflag:s1] =	ssyncadd.s32 $0xFFFFE000  }
0x146: {  	[tilespmem:s26], [sflag:$0x3] =	stream.indirect.gather [spmem:s2], $0x80, s13, s8, $0xb8;
	[tilespmem:$0x1E800] =	vst v63  }
0x147: {  	_ =	swait.ge [sflag:s30], $0x2000  }
0x148: {  	[sflag:s30] =	ssyncset.done $0x0  }
0x149: {  	s10 =	sadd.s32 $0x70000, s17;
	[sflag:s30] =	ssyncadd.s32 $0xFFFFE000  }
0x14a: {  	[hbm4b:s10+s21] =	stream.strided.scatter [tilespmem:s29], [sflag:$0x7], $0x2000, s16, s21, $0x38;
	[tilespmem:$0x1E800] =	vst v63  }
0x14b: {  	_ =	swait.ge [sflag:s4], $0x2000  }
0x14c: {  	[sflag:s4] =	ssyncset.done $0x0  }
0x14d: {  	s11 =	simm.s32 $0x7C0;
	[sflag:s4] =	ssyncadd.s32 $0xFFFFE000  }
0x14e: {  	[tilespmem:s29], [sflag:$0x4] =	stream.indirect.gather [spmem:s2], $0x80, s11, s8, $0xb8;
	[tilespmem:$0x1E800] =	vst v63  }
0x14f: {  	_ =	swait.ge [sflag:s0], $0x2000  }
0x150: {  	[sflag:s0] =	ssyncset.done $0x0  }
0x151: {  	s12 =	sadd.s32 $0x74000, s17;
	[sflag:s0] =	ssyncadd.s32 $0xFFFFE000  }
0x152: {  	[hbm4b:s12+s21] =	stream.strided.scatter [tilespmem:s31], [sflag:$0x8], $0x2000, s16, s21, $0x38;
	[tilespmem:$0x1E800] =	vst v63  }
0x153: {  	_ =	swait.ge [sflag:s28], $0x2000  }
0x154: {  	[sflag:s28] =	ssyncset.done $0x0  }
0x155: {  	s13 =	sadd.s32 $0x78000, s17;
	[sflag:s28] =	ssyncadd.s32 $0xFFFFE000  }
0x156: {  	[hbm4b:s13+s21] =	stream.strided.scatter [tilespmem:s26], [sflag:$0x6], $0x2000, s16, s21, $0x38;
	[tilespmem:$0x1E800] =	vst v63  }
0x157: {  	_ =	swait.ge [sflag:s30], $0x2000  }
.Ltmp2:
0x158: {  	[sflag:s30] =	ssyncset.done $0x0;
	(pc) =	sbr.rel @p0 .LBB2_4-.Ltmp2, $3  }
0x159: {  	s17 =	sadd.s32 $0x7C000, s17;
	[sflag:s30] =	ssyncadd.s32 $0xFFFFE000  }
0x15a: {  	[hbm4b:s17+s21] =	stream.strided.scatter [tilespmem:s29], [sflag:$0x7], $0x2000, s16, s21, $0x38;
	[tilespmem:$0x1E800] =	vst v63  }
0x15b: {  	[bflag:$0x0] =	sbarrier.arrive $0xFFFF;
	_ =	sdelay $0x1  }
0x15c: {  	s9 =	rddreg [dreg:$0x10]  }
0x15d: {  	s10 =	simm.s32 $0x800;
	s9 =	sadd.s32 s5, s9  }
0x15e: {  	[spmem:s24@s20], [sflag:s22] =	dma.strided [hbm:s9@s10], $0x1000, s23, $0x10   }
0x15f: {  	_ =	swait.ge [sflag:s1], $0x2000  }
0x160: {  	[sflag:s1] =	ssyncset.done $0x0  }
0x161: {  	[sflag:s1] =	ssyncadd.s32 $0xFFFFE000  }
0x162: {  	_ =	swait.ge [sflag:s4], $0x2000  }
0x163: {  	[sflag:s4] =	ssyncset.done $0x0  }
0x164: {  	[sflag:s4] =	ssyncadd.s32 $0xFFFFE000  }
0x165: {  	_ =	swait.ge [sflag:s23], $0x2000  }
0x166: {  	[sflag:s23] =	ssyncset.done $0x0  }
0x167: {  	[sflag:s23] =	ssyncadd.s32 $0xFFFFE000  }
0x168: {  	_ =	swait.ge [sflag:s25], $0x1000  }
0x169: {  	[sflag:s25] =	ssyncset.done $0x0  }
0x16a: {  	[sflag:s25] =	ssyncadd.s32 $0xFFFFF000  }
0x16b: {  	[tilespmem:s26], [sflag:$0x3] =	stream.linear.gather [spmem:s7], $0x2000, $0x38;
	[tilespmem:$0x1E800] =	vst v63  }
0x16c: {  	_ =	swait.ge [sflag:s28], $0x2000  }
0x16d: {  	[sflag:s28] =	ssyncset.done $0x0  }
0x16e: {  	s10 =	rddreg [dreg:$0xa];
	[sflag:s28] =	ssyncadd.s32 $0xFFFFE000  }
0x16f: {  	[spmem:s10] =	stream.linear.scatter [tilespmem:s26], [sflag:$0x6], $0x2000, $0x38;
	[tilespmem:$0x1E800] =	vst v63  }
0x170: {  	s11 =	rddreg [dreg:$0xb]  }
0x171: {  	[tilespmem:s29], [sflag:$0x4] =	stream.linear.gather [spmem:s11], $0x2000, $0x38;
	[tilespmem:$0x1E800] =	vst v63  }
0x172: {  	_ =	swait.ge [sflag:s30], $0x2000  }
0x173: {  	[sflag:s30] =	ssyncset.done $0x0  }
0x174: {  	s12 =	rddreg [dreg:$0xc];
	[sflag:s30] =	ssyncadd.s32 $0xFFFFE000  }
0x175: {  	[spmem:s12] =	stream.linear.scatter [tilespmem:s29], [sflag:$0x7], $0x2000, $0x38;
	[tilespmem:$0x1E800] =	vst v63  }
0x176: {  	s13 =	rddreg [dreg:$0xd]  }
0x177: {  	[tilespmem:s31], [sflag:$0x5] =	stream.linear.gather [spmem:s13], $0x2000, $0x38;
	[tilespmem:$0x1E800] =	vst v63  }
0x178: {  	_ =	swait.ge [sflag:s0], $0x2000  }
0x179: {  	[sflag:s0] =	ssyncset.done $0x0  }
0x17a: {  	s17 =	rddreg [dreg:$0xe];
	[sflag:s0] =	ssyncadd.s32 $0xFFFFE000  }
0x17b: {  	[spmem:s17] =	stream.linear.scatter [tilespmem:s31], [sflag:$0x8], $0x2000, $0x38;
	[tilespmem:$0x1E800] =	vst v63  }
0x17c: {  	_ =	swait.ge [sflag:s1], $0x2000  }
0x17d: {  	[sflag:s1] =	ssyncset.done $0x0  }
0x17e: {  	[sflag:s1] =	ssyncadd.s32 $0xFFFFE000  }
0x17f: {  	[tilespmem:s26], [sflag:$0x3] =	stream.linear.gather [spmem:s14], $0x2000, $0x38;
	[tilespmem:$0x1E800] =	vst v63  }
0x180: {  	_ =	swait.ge [sflag:s28], $0x2000  }
0x181: {  	[sflag:s28] =	ssyncset.done $0x0  }
0x182: {  	[sflag:s28] =	ssyncadd.s32 $0xFFFFE000  }
0x183: {  	[spmem:s15] =	stream.linear.scatter [tilespmem:s26], [sflag:$0x6], $0x2000, $0x38;
	[tilespmem:$0x1E800] =	vst v63  }
0x184: {  	_ =	swait.ge [sflag:s4], $0x2000  }
0x185: {  	[sflag:s4] =	ssyncset.done $0x0  }
0x186: {  	[sflag:s4] =	ssyncadd.s32 $0xFFFFE000  }
0x187: {  	_ =	swait.ge [sflag:s23], $0x2000  }
.Ltmp3:
0x188: {  	[sflag:s23] =	ssyncset.done $0x0;
	(pc) =	sbr.rel .LBB2_2-.Ltmp3, $4  }
0x189: {  	[sflag:s23] =	ssyncadd.s32 $0xFFFFE000  }
0x18a: {  	_ =	swait.ge [sflag:s1], $0x2000  }
0x18b: {  	[sflag:s1] =	ssyncset.done $0x0  }
0x18c: {  	s5 =	sadd.s32 $0x80, s5;
	[sflag:s1] =	ssyncadd.s32 $0xFFFFE000  }
.LBB2_5:
0x18d: {  	_ =	sfence.sel $0x180000  }
0x18e: {  	[bflag:$0x0] =	sbarrier.arrive $0xFFFF  }
0x18f: {  	_ =	strace $0x90000047  }
0x190: {  	s0 =	stileid.u32;
	[bflag:$0x2] =	sbarrier.arrive $0xFFFF  }
0x191: {  	p0 =	sne.s32 s0, $0x0;
	s0 =	rddreg [dreg:$0x5]  }
0x192: {  	s0 =	sadd.s32 @!p0 $0x100000, s0  }
0x193: {  	[sflag:s0] =	ssyncadd.tile.s32 @!p0 $0x1;
	_ =	shalt  }
.Lfunc_end2:
_tile_overlayer_lowered:
.L_overlay_start_2:
0x194: {  	(tag) =	ssettag $0x2  }
0x195: {  	s0 =	rddreg [dreg:$0x0];
	s2 =	stileid.u32  }
0x196: {  	s1 =	rddreg [dreg:$0x1];
	p0 =	sne.s32 s2, $0x0  }
0x197: {  	s3 =	rddreg [dreg:$0x2];
	[bflag:$0x3] =	sbarrier.arrive $0xFFFF;
	s2 =	simm.s32 @!p0 $0x1C09  }
0x198: {  	[timem:s3], [sflag:s2] =	dma.local @!p0 [hbm:s0], s1  }
0x199: {  	s0 =	simm.s32 @!p0 $0x9  }
0x19a: {  	_ =	swait.ge @!p0 [sflag:s0], s1  }
0x19b: {  	s1 =	ssub.s32 @!p0 $0x0, s1;
	[sflag:s0] =	ssyncset.done @!p0 $0x0  }
0x19c: {  	[sflag:s0] =	ssyncadd.s32 @!p0 s1  }
0x19d: {  	[bflag:$0x3] =	sbarrier.arrive $0xFFFF  }
0x19e: {  	_ =	shalt  }

</sc_bundles>
